<compile_context>
chip_gen: v7x
topology: tpu7x:2x2x1
jax: 0.10.2.dev20260603
libtpu: 0.0.44.dev20260713+nightly
codegen_flags: <defaults>
</compile_context>

<pallas_src>
import functools

import jax
import jax.numpy as jnp
from jax import lax
from jax.experimental import pallas as pl
from jax.experimental.pallas import tpu as pltpu
from jax.experimental.pallas import tpu_sc as plsc

NUM_USERS = 1000000
EMBED_DIM = 32
BATCH = 16384

_UPAD = 1000064
_NGRAN = _UPAD // 128
_NROWS = EMBED_DIM * _NGRAN

_info = plsc.get_sparse_core_info()
_NC, _NS = _info.num_cores, _info.num_subcores
_NW = _NC * _NS
_B_PER_W = BATCH // _NW
_NG = _B_PER_W // 16

_mesh = plsc.VectorSubcoreMesh(core_axis_name="c", subcore_axis_name="s")


def _iota16():
    return lax.iota(jnp.int32, 16)


@functools.partial(
    pl.kernel,
    mesh=_mesh,
    compiler_params=pltpu.CompilerParams(needs_layout_passes=False),
    out_type=jax.ShapeDtypeStruct((EMBED_DIM, BATCH), jnp.float32),
    scratch_types=[
        pltpu.VMEM((_B_PER_W,), jnp.int32),
        pltpu.VMEM((128,), jnp.int32),
        pltpu.VMEM((128,), jnp.int32),
        pltpu.VMEM((128,), jnp.int32),
        pltpu.VMEM((128,), jnp.int32),
        pltpu.VMEM((256, 128), jnp.float32),
        pltpu.VMEM((256, 128), jnp.float32),
        pltpu.VMEM((EMBED_DIM, _B_PER_W), jnp.float32),
        pltpu.SemaphoreType.DMA,
        pltpu.SemaphoreType.DMA,
    ],
)
def _lookup(idx_hbm, tview_hbm, out_hbm,
            idx_v, rla0, rlb0, rla1, rlb1, gbuf0, gbuf1, outb, s0, s1):
    cid = lax.axis_index("c")
    sid = lax.axis_index("s")
    wid = sid * _NC + cid
    base = wid * _B_PER_W
    pltpu.sync_copy(idx_hbm.at[pl.ds(base, _B_PER_W)], idx_v)

    def build_and_fire(unit, rla, rlb, gbuf, sem):
        g = unit >> 1
        h = unit & 1
        guv8 = (idx_v[pl.ds(g * 16, 16)] >> 7) << 3
        for d in range(8):
            rla[pl.ds(d * 16, 16)] = guv8 + ((2 * h) * 8 * _NGRAN + d)
            rlb[pl.ds(d * 16, 16)] = guv8 + ((2 * h + 1) * 8 * _NGRAN + d)
        pltpu.async_copy(tview_hbm.at[rla], gbuf.at[pl.ds(0, 128)], sem)
        pltpu.async_copy(tview_hbm.at[rlb], gbuf.at[pl.ds(128, 128)], sem)

    def consume(unit, gbuf, sem):
        pltpu.make_async_copy(tview_hbm.at[pl.ds(0, 256)], gbuf, sem).wait()
        g = unit >> 1
        h = unit & 1
        lane = idx_v[pl.ds(g * 16, 16)] & 127
        for d in range(16):
            vals = plsc.load_gather(gbuf, [d * 16 + _iota16(), lane])
            outb[16 * h + d, pl.ds(pl.multiple_of(g * 16, 16), 16)] = vals

    n_units = 2 * _NG
    build_and_fire(jnp.int32(0), rla0, rlb0, gbuf0, s0)
    build_and_fire(jnp.int32(1), rla1, rlb1, gbuf1, s1)

    def pair_body(p, carry):
        u0 = 2 * p
        consume(u0, gbuf0, s0)

        @pl.when(u0 + 2 < n_units)
        def _f0():
            build_and_fire(u0 + 2, rla0, rlb0, gbuf0, s0)

        consume(u0 + 1, gbuf1, s1)

        @pl.when(u0 + 3 < n_units)
        def _f1():
            build_and_fire(u0 + 3, rla1, rlb1, gbuf1, s1)

        return carry

    lax.fori_loop(0, n_units // 2, pair_body, jnp.int32(0))

    pltpu.sync_copy(
        outb, out_hbm.at[:, pl.ds(pl.multiple_of(base, 128), _B_PER_W)]
    )


def kernel(user_id, table):
    tview = (
        jnp.pad(table, ((0, _UPAD - (NUM_USERS + 1)), (0, 0)))
        .reshape(_NGRAN, 128, EMBED_DIM // 8, 8)
        .transpose(2, 0, 3, 1)
        .reshape(_NROWS, 128)
    )
    out_t = _lookup(user_id.astype(jnp.int32), tview)
    return out_t.T

# --- scband reference (transcript-rebuilt; emitter-appended) ---
"""Pipeline reference for scband-user-model-3324304687149 (READ-ONLY COPY).

The authoritative reference and input builder live on the scoring server;
editing this copy changes nothing except your own understanding.
"""

import jax, jax.numpy as jnp
import numpy as np

NUM_USERS = 1000000
EMBED_DIM = 32
BATCH = 16384

def setup_inputs(seed: int = 0) -> dict:
    key = jax.random.key(seed)
    k1, k2 = jax.random.split(key)
    user_id = jax.random.randint(k1, (BATCH,), 0, NUM_USERS, dtype=jnp.int64 if jax.config.jax_enable_x64 else jnp.int32)
    # Embedding table has num_users + 1 rows (Keras Embedding input_dim=num_users+1)
    table = jax.random.normal(k2, (NUM_USERS + 1, EMBED_DIM), dtype=jnp.float32) * 0.05
    return {"user_id": user_id, "table": table}

def reference(user_id, table):
    # Faithful translation of tf.keras Embedding lookup: gather rows by index
    return jnp.take(table, user_id, axis=0)

if __name__ == "__main__":
    import jax
    _d = setup_inputs()
    print(jax.jit(kernel)(*tuple(_d.values())))

</pallas_src>

<mosaic_0001>
#map = affine_map<(d0, d1) -> (0)>
#map1 = affine_map<(d0, d1) -> (0, 0)>
module attributes {stable_mosaic.version = 14 : i64} {
  func.func @_lookup(%arg0: i32, %arg1: i32, %arg2: memref<16384xi32, #tpu.memory_space<hbm>>, %arg3: memref<250016x128xf32, #tpu.memory_space<hbm>>, %arg4: memref<32x16384xf32, #tpu.memory_space<hbm>>, %arg5: memref<512xi32, #tpu.memory_space<vmem>>, %arg6: memref<128xi32, #tpu.memory_space<vmem>>, %arg7: memref<128xi32, #tpu.memory_space<vmem>>, %arg8: memref<128xi32, #tpu.memory_space<vmem>>, %arg9: memref<128xi32, #tpu.memory_space<vmem>>, %arg10: memref<256x128xf32, #tpu.memory_space<vmem>>, %arg11: memref<256x128xf32, #tpu.memory_space<vmem>>, %arg12: memref<32x512xf32, #tpu.memory_space<vmem>>, %arg13: memref<!tpu.dma_semaphore, #tpu.memory_space<semaphore_mem>>, %arg14: memref<!tpu.dma_semaphore, #tpu.memory_space<semaphore_mem>>) attributes {dimension_semantics = [#tpu.dimension_semantics<core_parallel>, #tpu.dimension_semantics<subcore_parallel>], iteration_bounds = array<i64: 2, 16>, scalar_prefetch = 0 : i64, scratch_operands = 10 : i64, tpu.core_type = #tpu.core_type<sc_vector_subcore>, window_params = [{transform_indices = #map}, {transform_indices = #map1}, {transform_indices = #map1}]} {
    %mul3A = arith.constant 2 : i32
    %mul3A_0 = arith.muli %arg1, %mul3A : i32
    %add3A = arith.addi %mul3A_0, %arg0 : i32
    %mul3A_1 = arith.constant 512 : i32
    %mul3A_2 = arith.muli %add3A, %mul3A_1 : i32
    "tpu.region"() ({
      %run_scoped3A = tpu.sem_alloc : memref<!tpu.dma_semaphore, #tpu.memory_space<semaphore_mem>>
      %dma_start3A_474 = tpu.memref_slice %arg2[%mul3A_2] : memref<16384xi32, #tpu.memory_space<hbm>> -> memref<512xi32, #tpu.memory_space<hbm>>
      %dma_start3A_475 = tpu.memref_slice %arg2[%mul3A_2] : memref<16384xi32, #tpu.memory_space<hbm>> -> memref<512xi32, #tpu.memory_space<hbm>>
      tpu.enqueue_dma source(%dma_start3A_475 : memref<512xi32, #tpu.memory_space<hbm>>) target(%arg5 : memref<512xi32, #tpu.memory_space<vmem>>) target_semaphore(%run_scoped3A : memref<!tpu.dma_semaphore, #tpu.memory_space<semaphore_mem>>)
      %dma_wait3A = tpu.memref_slice %arg2[%mul3A_2] : memref<16384xi32, #tpu.memory_space<hbm>> -> memref<512xi32, #tpu.memory_space<hbm>>
      %dma_wait3A_476 = tpu.memref_slice %arg2[%mul3A_2] : memref<16384xi32, #tpu.memory_space<hbm>> -> memref<512xi32, #tpu.memory_space<hbm>>
      tpu.wait_dma2 semaphore(%run_scoped3A : memref<!tpu.dma_semaphore, #tpu.memory_space<semaphore_mem>>) src(%dma_wait3A_476 : memref<512xi32, #tpu.memory_space<hbm>>) dst(%arg5 : memref<512xi32, #tpu.memory_space<vmem>>)
      tpu.yield
    }) : () -> ()
    %shift_right_arithmetic3A = arith.constant 0 : i32
    %shift_right_arithmetic3A_3 = arith.constant 1 : i32
    %shift_right_arithmetic3A_4 = arith.shrsi %shift_right_arithmetic3A, %shift_right_arithmetic3A_3 : i32
    %and3A = arith.constant 0 : i32
    %and3A_5 = arith.constant 1 : i32
    %and3A_6 = arith.andi %and3A, %and3A_5 : i32
    %mul3A_7 = arith.constant 16 : i32
    %mul3A_8 = arith.muli %shift_right_arithmetic3A_4, %mul3A_7 : i32
    %get3A = arith.index_cast %mul3A_8 : i32 to index
    %get3A_9 = tpu.vector_load %arg5[%get3A] {strides = array<i32>} : memref<512xi32, #tpu.memory_space<vmem>>, vector<16xi32>,
    %shift_right_arithmetic3A_10 = arith.constant 7 : i32
    %shift_right_arithmetic3A_11 = vector.broadcast %shift_right_arithmetic3A_10 : i32 to vector<16xi32>
    %shift_right_arithmetic3A_12 = arith.shrsi %get3A_9, %shift_right_arithmetic3A_11 : vector<16xi32>
    %shift_left3A = arith.constant 3 : i32
    %shift_left3A_13 = vector.broadcast %shift_left3A : i32 to vector<16xi32>
    %shift_left3A_14 = arith.shli %shift_right_arithmetic3A_12, %shift_left3A_13 : vector<16xi32>
    %mul3A_15 = arith.constant 2 : i32
    %mul3A_16 = arith.muli %mul3A_15, %and3A_6 : i32
    %mul3A_17 = arith.constant 8 : i32
    %mul3A_18 = arith.muli %mul3A_16, %mul3A_17 : i32
    %mul3A_19 = arith.constant 7813 : i32
    %mul3A_20 = arith.muli %mul3A_18, %mul3A_19 : i32
    %add3A_21 = arith.constant 0 : i32
    %add3A_22 = arith.addi %mul3A_20, %add3A_21 : i32
    %add3A_23 = vector.broadcast %add3A_22 : i32 to vector<16xi32>
    %add3A_24 = arith.addi %shift_left3A_14, %add3A_23 : vector<16xi32>
    %swap3A = arith.constant 0 : index
    %swap3A_25 = tpu.vector_load %arg6[%swap3A] {strides = array<i32>} : memref<128xi32, #tpu.memory_space<vmem>>, vector<16xi32>,
    tpu.vector_store %arg6[%swap3A], %add3A_24 {strides = array<i32>} : memref<128xi32, #tpu.memory_space<vmem>>, vector<16xi32>,
    %mul3A_26 = arith.constant 2 : i32
    %mul3A_27 = arith.muli %mul3A_26, %and3A_6 : i32
    %add3A_28 = arith.constant 1 : i32
    %add3A_29 = arith.addi %mul3A_27, %add3A_28 : i32
    %mul3A_30 = arith.constant 8 : i32
    %mul3A_31 = arith.muli %add3A_29, %mul3A_30 : i32
    %mul3A_32 = arith.constant 7813 : i32
    %mul3A_33 = arith.muli %mul3A_31, %mul3A_32 : i32
    %add3A_34 = arith.constant 0 : i32
    %add3A_35 = arith.addi %mul3A_33, %add3A_34 : i32
    %add3A_36 = vector.broadcast %add3A_35 : i32 to vector<16xi32>
    %add3A_37 = arith.addi %shift_left3A_14, %add3A_36 : vector<16xi32>
    %swap3A_38 = arith.constant 0 : index
    %swap3A_39 = tpu.vector_load %arg7[%swap3A_38] {strides = array<i32>} : memref<128xi32, #tpu.memory_space<vmem>>, vector<16xi32>,
    tpu.vector_store %arg7[%swap3A_38], %add3A_37 {strides = array<i32>} : memref<128xi32, #tpu.memory_space<vmem>>, vector<16xi32>,
    %mul3A_40 = arith.constant 2 : i32
    %mul3A_41 = arith.muli %mul3A_40, %and3A_6 : i32
    %mul3A_42 = arith.constant 8 : i32
    %mul3A_43 = arith.muli %mul3A_41, %mul3A_42 : i32
    %mul3A_44 = arith.constant 7813 : i32
    %mul3A_45 = arith.muli %mul3A_43, %mul3A_44 : i32
    %add3A_46 = arith.constant 1 : i32
    %add3A_47 = arith.addi %mul3A_45, %add3A_46 : i32
    %add3A_48 = vector.broadcast %add3A_47 : i32 to vector<16xi32>
    %add3A_49 = arith.addi %shift_left3A_14, %add3A_48 : vector<16xi32>
    %swap3A_50 = arith.constant 16 : index
    %swap3A_51 = tpu.vector_load %arg6[%swap3A_50] {strides = array<i32>} : memref<128xi32, #tpu.memory_space<vmem>>, vector<16xi32>,
    tpu.vector_store %arg6[%swap3A_50], %add3A_49 {strides = array<i32>} : memref<128xi32, #tpu.memory_space<vmem>>, vector<16xi32>,
    %mul3A_52 = arith.constant 2 : i32
    %mul3A_53 = arith.muli %mul3A_52, %and3A_6 : i32
    %add3A_54 = arith.constant 1 : i32
    %add3A_55 = arith.addi %mul3A_53, %add3A_54 : i32
    %mul3A_56 = arith.constant 8 : i32
    %mul3A_57 = arith.muli %add3A_55, %mul3A_56 : i32
    %mul3A_58 = arith.constant 7813 : i32
    %mul3A_59 = arith.muli %mul3A_57, %mul3A_58 : i32
    %add3A_60 = arith.constant 1 : i32
    %add3A_61 = arith.addi %mul3A_59, %add3A_60 : i32
    %add3A_62 = vector.broadcast %add3A_61 : i32 to vector<16xi32>
    %add3A_63 = arith.addi %shift_left3A_14, %add3A_62 : vector<16xi32>
    %swap3A_64 = arith.constant 16 : index
    %swap3A_65 = tpu.vector_load %arg7[%swap3A_64] {strides = array<i32>} : memref<128xi32, #tpu.memory_space<vmem>>, vector<16xi32>,
    tpu.vector_store %arg7[%swap3A_64], %add3A_63 {strides = array<i32>} : memref<128xi32, #tpu.memory_space<vmem>>, vector<16xi32>,
    %mul3A_66 = arith.constant 2 : i32
    %mul3A_67 = arith.muli %mul3A_66, %and3A_6 : i32
    %mul3A_68 = arith.constant 8 : i32
    %mul3A_69 = arith.muli %mul3A_67, %mul3A_68 : i32
    %mul3A_70 = arith.constant 7813 : i32
    %mul3A_71 = arith.muli %mul3A_69, %mul3A_70 : i32
    %add3A_72 = arith.constant 2 : i32
    %add3A_73 = arith.addi %mul3A_71, %add3A_72 : i32
    %add3A_74 = vector.broadcast %add3A_73 : i32 to vector<16xi32>
    %add3A_75 = arith.addi %shift_left3A_14, %add3A_74 : vector<16xi32>
    %swap3A_76 = arith.constant 32 : index
    %swap3A_77 = tpu.vector_load %arg6[%swap3A_76] {strides = array<i32>} : memref<128xi32, #tpu.memory_space<vmem>>, vector<16xi32>,
    tpu.vector_store %arg6[%swap3A_76], %add3A_75 {strides = array<i32>} : memref<128xi32, #tpu.memory_space<vmem>>, vector<16xi32>,
    %mul3A_78 = arith.constant 2 : i32
    %mul3A_79 = arith.muli %mul3A_78, %and3A_6 : i32
    %add3A_80 = arith.constant 1 : i32
    %add3A_81 = arith.addi %mul3A_79, %add3A_80 : i32
    %mul3A_82 = arith.constant 8 : i32
    %mul3A_83 = arith.muli %add3A_81, %mul3A_82 : i32
    %mul3A_84 = arith.constant 7813 : i32
    %mul3A_85 = arith.muli %mul3A_83, %mul3A_84 : i32
    %add3A_86 = arith.constant 2 : i32
    %add3A_87 = arith.addi %mul3A_85, %add3A_86 : i32
    %add3A_88 = vector.broadcast %add3A_87 : i32 to vector<16xi32>
    %add3A_89 = arith.addi %shift_left3A_14, %add3A_88 : vector<16xi32>
    %swap3A_90 = arith.constant 32 : index
    %swap3A_91 = tpu.vector_load %arg7[%swap3A_90] {strides = array<i32>} : memref<128xi32, #tpu.memory_space<vmem>>, vector<16xi32>,
    tpu.vector_store %arg7[%swap3A_90], %add3A_89 {strides = array<i32>} : memref<128xi32, #tpu.memory_space<vmem>>, vector<16xi32>,
    %mul3A_92 = arith.constant 2 : i32
    %mul3A_93 = arith.muli %mul3A_92, %and3A_6 : i32
    %mul3A_94 = arith.constant 8 : i32
    %mul3A_95 = arith.muli %mul3A_93, %mul3A_94 : i32
    %mul3A_96 = arith.constant 7813 : i32
    %mul3A_97 = arith.muli %mul3A_95, %mul3A_96 : i32
    %add3A_98 = arith.constant 3 : i32
    %add3A_99 = arith.addi %mul3A_97, %add3A_98 : i32
    %add3A_100 = vector.broadcast %add3A_99 : i32 to vector<16xi32>
    %add3A_101 = arith.addi %shift_left3A_14, %add3A_100 : vector<16xi32>
    %swap3A_102 = arith.constant 48 : index
    %swap3A_103 = tpu.vector_load %arg6[%swap3A_102] {strides = array<i32>} : memref<128xi32, #tpu.memory_space<vmem>>, vector<16xi32>,
    tpu.vector_store %arg6[%swap3A_102], %add3A_101 {strides = array<i32>} : memref<128xi32, #tpu.memory_space<vmem>>, vector<16xi32>,
    %mul3A_104 = arith.constant 2 : i32
    %mul3A_105 = arith.muli %mul3A_104, %and3A_6 : i32
    %add3A_106 = arith.constant 1 : i32
    %add3A_107 = arith.addi %mul3A_105, %add3A_106 : i32
    %mul3A_108 = arith.constant 8 : i32
    %mul3A_109 = arith.muli %add3A_107, %mul3A_108 : i32
    %mul3A_110 = arith.constant 7813 : i32
    %mul3A_111 = arith.muli %mul3A_109, %mul3A_110 : i32
    %add3A_112 = arith.constant 3 : i32
    %add3A_113 = arith.addi %mul3A_111, %add3A_112 : i32
    %add3A_114 = vector.broadcast %add3A_113 : i32 to vector<16xi32>
    %add3A_115 = arith.addi %shift_left3A_14, %add3A_114 : vector<16xi32>
    %swap3A_116 = arith.constant 48 : index
    %swap3A_117 = tpu.vector_load %arg7[%swap3A_116] {strides = array<i32>} : memref<128xi32, #tpu.memory_space<vmem>>, vector<16xi32>,
    tpu.vector_store %arg7[%swap3A_116], %add3A_115 {strides = array<i32>} : memref<128xi32, #tpu.memory_space<vmem>>, vector<16xi32>,
    %mul3A_118 = arith.constant 2 : i32
    %mul3A_119 = arith.muli %mul3A_118, %and3A_6 : i32
    %mul3A_120 = arith.constant 8 : i32
    %mul3A_121 = arith.muli %mul3A_119, %mul3A_120 : i32
    %mul3A_122 = arith.constant 7813 : i32
    %mul3A_123 = arith.muli %mul3A_121, %mul3A_122 : i32
    %add3A_124 = arith.constant 4 : i32
    %add3A_125 = arith.addi %mul3A_123, %add3A_124 : i32
    %add3A_126 = vector.broadcast %add3A_125 : i32 to vector<16xi32>
    %add3A_127 = arith.addi %shift_left3A_14, %add3A_126 : vector<16xi32>
    %swap3A_128 = arith.constant 64 : index
    %swap3A_129 = tpu.vector_load %arg6[%swap3A_128] {strides = array<i32>} : memref<128xi32, #tpu.memory_space<vmem>>, vector<16xi32>,
    tpu.vector_store %arg6[%swap3A_128], %add3A_127 {strides = array<i32>} : memref<128xi32, #tpu.memory_space<vmem>>, vector<16xi32>,
    %mul3A_130 = arith.constant 2 : i32
    %mul3A_131 = arith.muli %mul3A_130, %and3A_6 : i32
    %add3A_132 = arith.constant 1 : i32
    %add3A_133 = arith.addi %mul3A_131, %add3A_132 : i32
    %mul3A_134 = arith.constant 8 : i32
    %mul3A_135 = arith.muli %add3A_133, %mul3A_134 : i32
    %mul3A_136 = arith.constant 7813 : i32
    %mul3A_137 = arith.muli %mul3A_135, %mul3A_136 : i32
    %add3A_138 = arith.constant 4 : i32
    %add3A_139 = arith.addi %mul3A_137, %add3A_138 : i32
    %add3A_140 = vector.broadcast %add3A_139 : i32 to vector<16xi32>
    %add3A_141 = arith.addi %shift_left3A_14, %add3A_140 : vector<16xi32>
    %swap3A_142 = arith.constant 64 : index
    %swap3A_143 = tpu.vector_load %arg7[%swap3A_142] {strides = array<i32>} : memref<128xi32, #tpu.memory_space<vmem>>, vector<16xi32>,
    tpu.vector_store %arg7[%swap3A_142], %add3A_141 {strides = array<i32>} : memref<128xi32, #tpu.memory_space<vmem>>, vector<16xi32>,
    %mul3A_144 = arith.constant 2 : i32
    %mul3A_145 = arith.muli %mul3A_144, %and3A_6 : i32
    %mul3A_146 = arith.constant 8 : i32
    %mul3A_147 = arith.muli %mul3A_145, %mul3A_146 : i32
    %mul3A_148 = arith.constant 7813 : i32
    %mul3A_149 = arith.muli %mul3A_147, %mul3A_148 : i32
    %add3A_150 = arith.constant 5 : i32
    %add3A_151 = arith.addi %mul3A_149, %add3A_150 : i32
    %add3A_152 = vector.broadcast %add3A_151 : i32 to vector<16xi32>
    %add3A_153 = arith.addi %shift_left3A_14, %add3A_152 : vector<16xi32>
    %swap3A_154 = arith.constant 80 : index
    %swap3A_155 = tpu.vector_load %arg6[%swap3A_154] {strides = array<i32>} : memref<128xi32, #tpu.memory_space<vmem>>, vector<16xi32>,
    tpu.vector_store %arg6[%swap3A_154], %add3A_153 {strides = array<i32>} : memref<128xi32, #tpu.memory_space<vmem>>, vector<16xi32>,
    %mul3A_156 = arith.constant 2 : i32
    %mul3A_157 = arith.muli %mul3A_156, %and3A_6 : i32
    %add3A_158 = arith.constant 1 : i32
    %add3A_159 = arith.addi %mul3A_157, %add3A_158 : i32
    %mul3A_160 = arith.constant 8 : i32
    %mul3A_161 = arith.muli %add3A_159, %mul3A_160 : i32
    %mul3A_162 = arith.constant 7813 : i32
    %mul3A_163 = arith.muli %mul3A_161, %mul3A_162 : i32
    %add3A_164 = arith.constant 5 : i32
    %add3A_165 = arith.addi %mul3A_163, %add3A_164 : i32
    %add3A_166 = vector.broadcast %add3A_165 : i32 to vector<16xi32>
    %add3A_167 = arith.addi %shift_left3A_14, %add3A_166 : vector<16xi32>
    %swap3A_168 = arith.constant 80 : index
    %swap3A_169 = tpu.vector_load %arg7[%swap3A_168] {strides = array<i32>} : memref<128xi32, #tpu.memory_space<vmem>>, vector<16xi32>,
    tpu.vector_store %arg7[%swap3A_168], %add3A_167 {strides = array<i32>} : memref<128xi32, #tpu.memory_space<vmem>>, vector<16xi32>,
    %mul3A_170 = arith.constant 2 : i32
    %mul3A_171 = arith.muli %mul3A_170, %and3A_6 : i32
    %mul3A_172 = arith.constant 8 : i32
    %mul3A_173 = arith.muli %mul3A_171, %mul3A_172 : i32
    %mul3A_174 = arith.constant 7813 : i32
    %mul3A_175 = arith.muli %mul3A_173, %mul3A_174 : i32
    %add3A_176 = arith.constant 6 : i32
    %add3A_177 = arith.addi %mul3A_175, %add3A_176 : i32
    %add3A_178 = vector.broadcast %add3A_177 : i32 to vector<16xi32>
    %add3A_179 = arith.addi %shift_left3A_14, %add3A_178 : vector<16xi32>
    %swap3A_180 = arith.constant 96 : index
    %swap3A_181 = tpu.vector_load %arg6[%swap3A_180] {strides = array<i32>} : memref<128xi32, #tpu.memory_space<vmem>>, vector<16xi32>,
    tpu.vector_store %arg6[%swap3A_180], %add3A_179 {strides = array<i32>} : memref<128xi32, #tpu.memory_space<vmem>>, vector<16xi32>,
    %mul3A_182 = arith.constant 2 : i32
    %mul3A_183 = arith.muli %mul3A_182, %and3A_6 : i32
    %add3A_184 = arith.constant 1 : i32
    %add3A_185 = arith.addi %mul3A_183, %add3A_184 : i32
    %mul3A_186 = arith.constant 8 : i32
    %mul3A_187 = arith.muli %add3A_185, %mul3A_186 : i32
    %mul3A_188 = arith.constant 7813 : i32
    %mul3A_189 = arith.muli %mul3A_187, %mul3A_188 : i32
    %add3A_190 = arith.constant 6 : i32
    %add3A_191 = arith.addi %mul3A_189, %add3A_190 : i32
    %add3A_192 = vector.broadcast %add3A_191 : i32 to vector<16xi32>
    %add3A_193 = arith.addi %shift_left3A_14, %add3A_192 : vector<16xi32>
    %swap3A_194 = arith.constant 96 : index
    %swap3A_195 = tpu.vector_load %arg7[%swap3A_194] {strides = array<i32>} : memref<128xi32, #tpu.memory_space<vmem>>, vector<16xi32>,
    tpu.vector_store %arg7[%swap3A_194], %add3A_193 {strides = array<i32>} : memref<128xi32, #tpu.memory_space<vmem>>, vector<16xi32>,
    %mul3A_196 = arith.constant 2 : i32
    %mul3A_197 = arith.muli %mul3A_196, %and3A_6 : i32
    %mul3A_198 = arith.constant 8 : i32
    %mul3A_199 = arith.muli %mul3A_197, %mul3A_198 : i32
    %mul3A_200 = arith.constant 7813 : i32
    %mul3A_201 = arith.muli %mul3A_199, %mul3A_200 : i32
    %add3A_202 = arith.constant 7 : i32
    %add3A_203 = arith.addi %mul3A_201, %add3A_202 : i32
    %add3A_204 = vector.broadcast %add3A_203 : i32 to vector<16xi32>
    %add3A_205 = arith.addi %shift_left3A_14, %add3A_204 : vector<16xi32>
    %swap3A_206 = arith.constant 112 : index
    %swap3A_207 = tpu.vector_load %arg6[%swap3A_206] {strides = array<i32>} : memref<128xi32, #tpu.memory_space<vmem>>, vector<16xi32>,
    tpu.vector_store %arg6[%swap3A_206], %add3A_205 {strides = array<i32>} : memref<128xi32, #tpu.memory_space<vmem>>, vector<16xi32>,
    %mul3A_208 = arith.constant 2 : i32
    %mul3A_209 = arith.muli %mul3A_208, %and3A_6 : i32
    %add3A_210 = arith.constant 1 : i32
    %add3A_211 = arith.addi %mul3A_209, %add3A_210 : i32
    %mul3A_212 = arith.constant 8 : i32
    %mul3A_213 = arith.muli %add3A_211, %mul3A_212 : i32
    %mul3A_214 = arith.constant 7813 : i32
    %mul3A_215 = arith.muli %mul3A_213, %mul3A_214 : i32
    %add3A_216 = arith.constant 7 : i32
    %add3A_217 = arith.addi %mul3A_215, %add3A_216 : i32
    %add3A_218 = vector.broadcast %add3A_217 : i32 to vector<16xi32>
    %add3A_219 = arith.addi %shift_left3A_14, %add3A_218 : vector<16xi32>
    %swap3A_220 = arith.constant 112 : index
    %swap3A_221 = tpu.vector_load %arg7[%swap3A_220] {strides = array<i32>} : memref<128xi32, #tpu.memory_space<vmem>>, vector<16xi32>,
    tpu.vector_store %arg7[%swap3A_220], %add3A_219 {strides = array<i32>} : memref<128xi32, #tpu.memory_space<vmem>>, vector<16xi32>,
    %dma_start3A = arith.constant 0 : i32
    %dma_start3A_222 = arith.constant 0 : i32
    %dma_start3A_223 = tpu.memref_slice %arg10[%dma_start3A, %dma_start3A_222] : memref<256x128xf32, #tpu.memory_space<vmem>> -> memref<128x128xf32, #tpu.memory_space<vmem>>
    %dma_start3A_224 = arith.constant 0 : i32
    %dma_start3A_225 = arith.constant 0 : i32
    %dma_start3A_226 = tpu.memref_slice %arg3[%dma_start3A_224, %dma_start3A_225] : memref<250016x128xf32, #tpu.memory_space<hbm>> -> memref<250016x128xf32, #tpu.memory_space<hbm>>
    tpu.enqueue_indirect_dma source(%dma_start3A_226 : memref<250016x128xf32, #tpu.memory_space<hbm>>) target(%dma_start3A_223 : memref<128x128xf32, #tpu.memory_space<vmem>>) offsets(%arg6 : memref<128xi32, #tpu.memory_space<vmem>>) semaphore(%arg13 : memref<!tpu.dma_semaphore, #tpu.memory_space<semaphore_mem>>)
    %dma_start3A_227 = arith.constant 128 : i32
    %dma_start3A_228 = arith.constant 0 : i32
    %dma_start3A_229 = tpu.memref_slice %arg10[%dma_start3A_227, %dma_start3A_228] : memref<256x128xf32, #tpu.memory_space<vmem>> -> memref<128x128xf32, #tpu.memory_space<vmem>>
    %dma_start3A_230 = arith.constant 0 : i32
    %dma_start3A_231 = arith.constant 0 : i32
    %dma_start3A_232 = tpu.memref_slice %arg3[%dma_start3A_230, %dma_start3A_231] : memref<250016x128xf32, #tpu.memory_space<hbm>> -> memref<250016x128xf32, #tpu.memory_space<hbm>>
    tpu.enqueue_indirect_dma source(%dma_start3A_232 : memref<250016x128xf32, #tpu.memory_space<hbm>>) target(%dma_start3A_229 : memref<128x128xf32, #tpu.memory_space<vmem>>) offsets(%arg7 : memref<128xi32, #tpu.memory_space<vmem>>) semaphore(%arg13 : memref<!tpu.dma_semaphore, #tpu.memory_space<semaphore_mem>>)
    %shift_right_arithmetic3A_233 = arith.constant 1 : i32
    %shift_right_arithmetic3A_234 = arith.constant 1 : i32
    %shift_right_arithmetic3A_235 = arith.shrsi %shift_right_arithmetic3A_233, %shift_right_arithmetic3A_234 : i32
    %and3A_236 = arith.constant 1 : i32
    %and3A_237 = arith.constant 1 : i32
    %and3A_238 = arith.andi %and3A_236, %and3A_237 : i32
    %mul3A_239 = arith.constant 16 : i32
    %mul3A_240 = arith.muli %shift_right_arithmetic3A_235, %mul3A_239 : i32
    %get3A_241 = arith.index_cast %mul3A_240 : i32 to index
    %get3A_242 = tpu.vector_load %arg5[%get3A_241] {strides = array<i32>} : memref<512xi32, #tpu.memory_space<vmem>>, vector<16xi32>,
    %shift_right_arithmetic3A_243 = arith.constant 7 : i32
    %shift_right_arithmetic3A_244 = vector.broadcast %shift_right_arithmetic3A_243 : i32 to vector<16xi32>
    %shift_right_arithmetic3A_245 = arith.shrsi %get3A_242, %shift_right_arithmetic3A_244 : vector<16xi32>
    %shift_left3A_246 = arith.constant 3 : i32
    %shift_left3A_247 = vector.broadcast %shift_left3A_246 : i32 to vector<16xi32>
    %shift_left3A_248 = arith.shli %shift_right_arithmetic3A_245, %shift_left3A_247 : vector<16xi32>
    %mul3A_249 = arith.constant 2 : i32
    %mul3A_250 = arith.muli %mul3A_249, %and3A_238 : i32
    %mul3A_251 = arith.constant 8 : i32
    %mul3A_252 = arith.muli %mul3A_250, %mul3A_251 : i32
    %mul3A_253 = arith.constant 7813 : i32
    %mul3A_254 = arith.muli %mul3A_252, %mul3A_253 : i32
    %add3A_255 = arith.constant 0 : i32
    %add3A_256 = arith.addi %mul3A_254, %add3A_255 : i32
    %add3A_257 = vector.broadcast %add3A_256 : i32 to vector<16xi32>
    %add3A_258 = arith.addi %shift_left3A_248, %add3A_257 : vector<16xi32>
    %swap3A_259 = arith.constant 0 : index
    %swap3A_260 = tpu.vector_load %arg8[%swap3A_259] {strides = array<i32>} : memref<128xi32, #tpu.memory_space<vmem>>, vector<16xi32>,
    tpu.vector_store %arg8[%swap3A_259], %add3A_258 {strides = array<i32>} : memref<128xi32, #tpu.memory_space<vmem>>, vector<16xi32>,
    %mul3A_261 = arith.constant 2 : i32
    %mul3A_262 = arith.muli %mul3A_261, %and3A_238 : i32
    %add3A_263 = arith.constant 1 : i32
    %add3A_264 = arith.addi %mul3A_262, %add3A_263 : i32
    %mul3A_265 = arith.constant 8 : i32
    %mul3A_266 = arith.muli %add3A_264, %mul3A_265 : i32
    %mul3A_267 = arith.constant 7813 : i32
    %mul3A_268 = arith.muli %mul3A_266, %mul3A_267 : i32
    %add3A_269 = arith.constant 0 : i32
    %add3A_270 = arith.addi %mul3A_268, %add3A_269 : i32
    %add3A_271 = vector.broadcast %add3A_270 : i32 to vector<16xi32>
    %add3A_272 = arith.addi %shift_left3A_248, %add3A_271 : vector<16xi32>
    %swap3A_273 = arith.constant 0 : index
    %swap3A_274 = tpu.vector_load %arg9[%swap3A_273] {strides = array<i32>} : memref<128xi32, #tpu.memory_space<vmem>>, vector<16xi32>,
    tpu.vector_store %arg9[%swap3A_273], %add3A_272 {strides = array<i32>} : memref<128xi32, #tpu.memory_space<vmem>>, vector<16xi32>,
    %mul3A_275 = arith.constant 2 : i32
    %mul3A_276 = arith.muli %mul3A_275, %and3A_238 : i32
    %mul3A_277 = arith.constant 8 : i32
    %mul3A_278 = arith.muli %mul3A_276, %mul3A_277 : i32
    %mul3A_279 = arith.constant 7813 : i32
    %mul3A_280 = arith.muli %mul3A_278, %mul3A_279 : i32
    %add3A_281 = arith.constant 1 : i32
    %add3A_282 = arith.addi %mul3A_280, %add3A_281 : i32
    %add3A_283 = vector.broadcast %add3A_282 : i32 to vector<16xi32>
    %add3A_284 = arith.addi %shift_left3A_248, %add3A_283 : vector<16xi32>
    %swap3A_285 = arith.constant 16 : index
    %swap3A_286 = tpu.vector_load %arg8[%swap3A_285] {strides = array<i32>} : memref<128xi32, #tpu.memory_space<vmem>>, vector<16xi32>,
    tpu.vector_store %arg8[%swap3A_285], %add3A_284 {strides = array<i32>} : memref<128xi32, #tpu.memory_space<vmem>>, vector<16xi32>,
    %mul3A_287 = arith.constant 2 : i32
    %mul3A_288 = arith.muli %mul3A_287, %and3A_238 : i32
    %add3A_289 = arith.constant 1 : i32
    %add3A_290 = arith.addi %mul3A_288, %add3A_289 : i32
    %mul3A_291 = arith.constant 8 : i32
    %mul3A_292 = arith.muli %add3A_290, %mul3A_291 : i32
    %mul3A_293 = arith.constant 7813 : i32
    %mul3A_294 = arith.muli %mul3A_292, %mul3A_293 : i32
    %add3A_295 = arith.constant 1 : i32
    %add3A_296 = arith.addi %mul3A_294, %add3A_295 : i32
    %add3A_297 = vector.broadcast %add3A_296 : i32 to vector<16xi32>
    %add3A_298 = arith.addi %shift_left3A_248, %add3A_297 : vector<16xi32>
    %swap3A_299 = arith.constant 16 : index
    %swap3A_300 = tpu.vector_load %arg9[%swap3A_299] {strides = array<i32>} : memref<128xi32, #tpu.memory_space<vmem>>, vector<16xi32>,
    tpu.vector_store %arg9[%swap3A_299], %add3A_298 {strides = array<i32>} : memref<128xi32, #tpu.memory_space<vmem>>, vector<16xi32>,
    %mul3A_301 = arith.constant 2 : i32
    %mul3A_302 = arith.muli %mul3A_301, %and3A_238 : i32
    %mul3A_303 = arith.constant 8 : i32
    %mul3A_304 = arith.muli %mul3A_302, %mul3A_303 : i32
    %mul3A_305 = arith.constant 7813 : i32
    %mul3A_306 = arith.muli %mul3A_304, %mul3A_305 : i32
    %add3A_307 = arith.constant 2 : i32
    %add3A_308 = arith.addi %mul3A_306, %add3A_307 : i32
    %add3A_309 = vector.broadcast %add3A_308 : i32 to vector<16xi32>
    %add3A_310 = arith.addi %shift_left3A_248, %add3A_309 : vector<16xi32>
    %swap3A_311 = arith.constant 32 : index
    %swap3A_312 = tpu.vector_load %arg8[%swap3A_311] {strides = array<i32>} : memref<128xi32, #tpu.memory_space<vmem>>, vector<16xi32>,
    tpu.vector_store %arg8[%swap3A_311], %add3A_310 {strides = array<i32>} : memref<128xi32, #tpu.memory_space<vmem>>, vector<16xi32>,
    %mul3A_313 = arith.constant 2 : i32
    %mul3A_314 = arith.muli %mul3A_313, %and3A_238 : i32
    %add3A_315 = arith.constant 1 : i32
    %add3A_316 = arith.addi %mul3A_314, %add3A_315 : i32
    %mul3A_317 = arith.constant 8 : i32
    %mul3A_318 = arith.muli %add3A_316, %mul3A_317 : i32
    %mul3A_319 = arith.constant 7813 : i32
    %mul3A_320 = arith.muli %mul3A_318, %mul3A_319 : i32
    %add3A_321 = arith.constant 2 : i32
    %add3A_322 = arith.addi %mul3A_320, %add3A_321 : i32
    %add3A_323 = vector.broadcast %add3A_322 : i32 to vector<16xi32>
    %add3A_324 = arith.addi %shift_left3A_248, %add3A_323 : vector<16xi32>
    %swap3A_325 = arith.constant 32 : index
    %swap3A_326 = tpu.vector_load %arg9[%swap3A_325] {strides = array<i32>} : memref<128xi32, #tpu.memory_space<vmem>>, vector<16xi32>,
    tpu.vector_store %arg9[%swap3A_325], %add3A_324 {strides = array<i32>} : memref<128xi32, #tpu.memory_space<vmem>>, vector<16xi32>,
    %mul3A_327 = arith.constant 2 : i32
    %mul3A_328 = arith.muli %mul3A_327, %and3A_238 : i32
    %mul3A_329 = arith.constant 8 : i32
    %mul3A_330 = arith.muli %mul3A_328, %mul3A_329 : i32
    %mul3A_331 = arith.constant 7813 : i32
    %mul3A_332 = arith.muli %mul3A_330, %mul3A_331 : i32
    %add3A_333 = arith.constant 3 : i32
    %add3A_334 = arith.addi %mul3A_332, %add3A_333 : i32
    %add3A_335 = vector.broadcast %add3A_334 : i32 to vector<16xi32>
    %add3A_336 = arith.addi %shift_left3A_248, %add3A_335 : vector<16xi32>
    %swap3A_337 = arith.constant 48 : index
    %swap3A_338 = tpu.vector_load %arg8[%swap3A_337] {strides = array<i32>} : memref<128xi32, #tpu.memory_space<vmem>>, vector<16xi32>,
    tpu.vector_store %arg8[%swap3A_337], %add3A_336 {strides = array<i32>} : memref<128xi32, #tpu.memory_space<vmem>>, vector<16xi32>,
    %mul3A_339 = arith.constant 2 : i32
    %mul3A_340 = arith.muli %mul3A_339, %and3A_238 : i32
    %add3A_341 = arith.constant 1 : i32
    %add3A_342 = arith.addi %mul3A_340, %add3A_341 : i32
    %mul3A_343 = arith.constant 8 : i32
    %mul3A_344 = arith.muli %add3A_342, %mul3A_343 : i32
    %mul3A_345 = arith.constant 7813 : i32
    %mul3A_346 = arith.muli %mul3A_344, %mul3A_345 : i32
    %add3A_347 = arith.constant 3 : i32
    %add3A_348 = arith.addi %mul3A_346, %add3A_347 : i32
    %add3A_349 = vector.broadcast %add3A_348 : i32 to vector<16xi32>
    %add3A_350 = arith.addi %shift_left3A_248, %add3A_349 : vector<16xi32>
    %swap3A_351 = arith.constant 48 : index
    %swap3A_352 = tpu.vector_load %arg9[%swap3A_351] {strides = array<i32>} : memref<128xi32, #tpu.memory_space<vmem>>, vector<16xi32>,
    tpu.vector_store %arg9[%swap3A_351], %add3A_350 {strides = array<i32>} : memref<128xi32, #tpu.memory_space<vmem>>, vector<16xi32>,
    %mul3A_353 = arith.constant 2 : i32
    %mul3A_354 = arith.muli %mul3A_353, %and3A_238 : i32
    %mul3A_355 = arith.constant 8 : i32
    %mul3A_356 = arith.muli %mul3A_354, %mul3A_355 : i32
    %mul3A_357 = arith.constant 7813 : i32
    %mul3A_358 = arith.muli %mul3A_356, %mul3A_357 : i32
    %add3A_359 = arith.constant 4 : i32
    %add3A_360 = arith.addi %mul3A_358, %add3A_359 : i32
    %add3A_361 = vector.broadcast %add3A_360 : i32 to vector<16xi32>
    %add3A_362 = arith.addi %shift_left3A_248, %add3A_361 : vector<16xi32>
    %swap3A_363 = arith.constant 64 : index
    %swap3A_364 = tpu.vector_load %arg8[%swap3A_363] {strides = array<i32>} : memref<128xi32, #tpu.memory_space<vmem>>, vector<16xi32>,
    tpu.vector_store %arg8[%swap3A_363], %add3A_362 {strides = array<i32>} : memref<128xi32, #tpu.memory_space<vmem>>, vector<16xi32>,
    %mul3A_365 = arith.constant 2 : i32
    %mul3A_366 = arith.muli %mul3A_365, %and3A_238 : i32
    %add3A_367 = arith.constant 1 : i32
    %add3A_368 = arith.addi %mul3A_366, %add3A_367 : i32
    %mul3A_369 = arith.constant 8 : i32
    %mul3A_370 = arith.muli %add3A_368, %mul3A_369 : i32
    %mul3A_371 = arith.constant 7813 : i32
    %mul3A_372 = arith.muli %mul3A_370, %mul3A_371 : i32
    %add3A_373 = arith.constant 4 : i32
    %add3A_374 = arith.addi %mul3A_372, %add3A_373 : i32
    %add3A_375 = vector.broadcast %add3A_374 : i32 to vector<16xi32>
    %add3A_376 = arith.addi %shift_left3A_248, %add3A_375 : vector<16xi32>
    %swap3A_377 = arith.constant 64 : index
    %swap3A_378 = tpu.vector_load %arg9[%swap3A_377] {strides = array<i32>} : memref<128xi32, #tpu.memory_space<vmem>>, vector<16xi32>,
    tpu.vector_store %arg9[%swap3A_377], %add3A_376 {strides = array<i32>} : memref<128xi32, #tpu.memory_space<vmem>>, vector<16xi32>,
    %mul3A_379 = arith.constant 2 : i32
    %mul3A_380 = arith.muli %mul3A_379, %and3A_238 : i32
    %mul3A_381 = arith.constant 8 : i32
    %mul3A_382 = arith.muli %mul3A_380, %mul3A_381 : i32
    %mul3A_383 = arith.constant 7813 : i32
    %mul3A_384 = arith.muli %mul3A_382, %mul3A_383 : i32
    %add3A_385 = arith.constant 5 : i32
    %add3A_386 = arith.addi %mul3A_384, %add3A_385 : i32
    %add3A_387 = vector.broadcast %add3A_386 : i32 to vector<16xi32>
    %add3A_388 = arith.addi %shift_left3A_248, %add3A_387 : vector<16xi32>
    %swap3A_389 = arith.constant 80 : index
    %swap3A_390 = tpu.vector_load %arg8[%swap3A_389] {strides = array<i32>} : memref<128xi32, #tpu.memory_space<vmem>>, vector<16xi32>,
    tpu.vector_store %arg8[%swap3A_389], %add3A_388 {strides = array<i32>} : memref<128xi32, #tpu.memory_space<vmem>>, vector<16xi32>,
    %mul3A_391 = arith.constant 2 : i32
    %mul3A_392 = arith.muli %mul3A_391, %and3A_238 : i32
    %add3A_393 = arith.constant 1 : i32
    %add3A_394 = arith.addi %mul3A_392, %add3A_393 : i32
    %mul3A_395 = arith.constant 8 : i32
    %mul3A_396 = arith.muli %add3A_394, %mul3A_395 : i32
    %mul3A_397 = arith.constant 7813 : i32
    %mul3A_398 = arith.muli %mul3A_396, %mul3A_397 : i32
    %add3A_399 = arith.constant 5 : i32
    %add3A_400 = arith.addi %mul3A_398, %add3A_399 : i32
    %add3A_401 = vector.broadcast %add3A_400 : i32 to vector<16xi32>
    %add3A_402 = arith.addi %shift_left3A_248, %add3A_401 : vector<16xi32>
    %swap3A_403 = arith.constant 80 : index
    %swap3A_404 = tpu.vector_load %arg9[%swap3A_403] {strides = array<i32>} : memref<128xi32, #tpu.memory_space<vmem>>, vector<16xi32>,
    tpu.vector_store %arg9[%swap3A_403], %add3A_402 {strides = array<i32>} : memref<128xi32, #tpu.memory_space<vmem>>, vector<16xi32>,
    %mul3A_405 = arith.constant 2 : i32
    %mul3A_406 = arith.muli %mul3A_405, %and3A_238 : i32
    %mul3A_407 = arith.constant 8 : i32
    %mul3A_408 = arith.muli %mul3A_406, %mul3A_407 : i32
    %mul3A_409 = arith.constant 7813 : i32
    %mul3A_410 = arith.muli %mul3A_408, %mul3A_409 : i32
    %add3A_411 = arith.constant 6 : i32
    %add3A_412 = arith.addi %mul3A_410, %add3A_411 : i32
    %add3A_413 = vector.broadcast %add3A_412 : i32 to vector<16xi32>
    %add3A_414 = arith.addi %shift_left3A_248, %add3A_413 : vector<16xi32>
    %swap3A_415 = arith.constant 96 : index
    %swap3A_416 = tpu.vector_load %arg8[%swap3A_415] {strides = array<i32>} : memref<128xi32, #tpu.memory_space<vmem>>, vector<16xi32>,
    tpu.vector_store %arg8[%swap3A_415], %add3A_414 {strides = array<i32>} : memref<128xi32, #tpu.memory_space<vmem>>, vector<16xi32>,
    %mul3A_417 = arith.constant 2 : i32
    %mul3A_418 = arith.muli %mul3A_417, %and3A_238 : i32
    %add3A_419 = arith.constant 1 : i32
    %add3A_420 = arith.addi %mul3A_418, %add3A_419 : i32
    %mul3A_421 = arith.constant 8 : i32
    %mul3A_422 = arith.muli %add3A_420, %mul3A_421 : i32
    %mul3A_423 = arith.constant 7813 : i32
    %mul3A_424 = arith.muli %mul3A_422, %mul3A_423 : i32
    %add3A_425 = arith.constant 6 : i32
    %add3A_426 = arith.addi %mul3A_424, %add3A_425 : i32
    %add3A_427 = vector.broadcast %add3A_426 : i32 to vector<16xi32>
    %add3A_428 = arith.addi %shift_left3A_248, %add3A_427 : vector<16xi32>
    %swap3A_429 = arith.constant 96 : index
    %swap3A_430 = tpu.vector_load %arg9[%swap3A_429] {strides = array<i32>} : memref<128xi32, #tpu.memory_space<vmem>>, vector<16xi32>,
    tpu.vector_store %arg9[%swap3A_429], %add3A_428 {strides = array<i32>} : memref<128xi32, #tpu.memory_space<vmem>>, vector<16xi32>,
    %mul3A_431 = arith.constant 2 : i32
    %mul3A_432 = arith.muli %mul3A_431, %and3A_238 : i32
    %mul3A_433 = arith.constant 8 : i32
    %mul3A_434 = arith.muli %mul3A_432, %mul3A_433 : i32
    %mul3A_435 = arith.constant 7813 : i32
    %mul3A_436 = arith.muli %mul3A_434, %mul3A_435 : i32
    %add3A_437 = arith.constant 7 : i32
    %add3A_438 = arith.addi %mul3A_436, %add3A_437 : i32
    %add3A_439 = vector.broadcast %add3A_438 : i32 to vector<16xi32>
    %add3A_440 = arith.addi %shift_left3A_248, %add3A_439 : vector<16xi32>
    %swap3A_441 = arith.constant 112 : index
    %swap3A_442 = tpu.vector_load %arg8[%swap3A_441] {strides = array<i32>} : memref<128xi32, #tpu.memory_space<vmem>>, vector<16xi32>,
    tpu.vector_store %arg8[%swap3A_441], %add3A_440 {strides = array<i32>} : memref<128xi32, #tpu.memory_space<vmem>>, vector<16xi32>,
    %mul3A_443 = arith.constant 2 : i32
    %mul3A_444 = arith.muli %mul3A_443, %and3A_238 : i32
    %add3A_445 = arith.constant 1 : i32
    %add3A_446 = arith.addi %mul3A_444, %add3A_445 : i32
    %mul3A_447 = arith.constant 8 : i32
    %mul3A_448 = arith.muli %add3A_446, %mul3A_447 : i32
    %mul3A_449 = arith.constant 7813 : i32
    %mul3A_450 = arith.muli %mul3A_448, %mul3A_449 : i32
    %add3A_451 = arith.constant 7 : i32
    %add3A_452 = arith.addi %mul3A_450, %add3A_451 : i32
    %add3A_453 = vector.broadcast %add3A_452 : i32 to vector<16xi32>
    %add3A_454 = arith.addi %shift_left3A_248, %add3A_453 : vector<16xi32>
    %swap3A_455 = arith.constant 112 : index
    %swap3A_456 = tpu.vector_load %arg9[%swap3A_455] {strides = array<i32>} : memref<128xi32, #tpu.memory_space<vmem>>, vector<16xi32>,
    tpu.vector_store %arg9[%swap3A_455], %add3A_454 {strides = array<i32>} : memref<128xi32, #tpu.memory_space<vmem>>, vector<16xi32>,
    %dma_start3A_457 = arith.constant 0 : i32
    %dma_start3A_458 = arith.constant 0 : i32
    %dma_start3A_459 = tpu.memref_slice %arg11[%dma_start3A_457, %dma_start3A_458] : memref<256x128xf32, #tpu.memory_space<vmem>> -> memref<128x128xf32, #tpu.memory_space<vmem>>
    %dma_start3A_460 = arith.constant 0 : i32
    %dma_start3A_461 = arith.constant 0 : i32
    %dma_start3A_462 = tpu.memref_slice %arg3[%dma_start3A_460, %dma_start3A_461] : memref<250016x128xf32, #tpu.memory_space<hbm>> -> memref<250016x128xf32, #tpu.memory_space<hbm>>
    tpu.enqueue_indirect_dma source(%dma_start3A_462 : memref<250016x128xf32, #tpu.memory_space<hbm>>) target(%dma_start3A_459 : memref<128x128xf32, #tpu.memory_space<vmem>>) offsets(%arg8 : memref<128xi32, #tpu.memory_space<vmem>>) semaphore(%arg14 : memref<!tpu.dma_semaphore, #tpu.memory_space<semaphore_mem>>)
    %dma_start3A_463 = arith.constant 128 : i32
    %dma_start3A_464 = arith.constant 0 : i32
    %dma_start3A_465 = tpu.memref_slice %arg11[%dma_start3A_463, %dma_start3A_464] : memref<256x128xf32, #tpu.memory_space<vmem>> -> memref<128x128xf32, #tpu.memory_space<vmem>>
    %dma_start3A_466 = arith.constant 0 : i32
    %dma_start3A_467 = arith.constant 0 : i32
    %dma_start3A_468 = tpu.memref_slice %arg3[%dma_start3A_466, %dma_start3A_467] : memref<250016x128xf32, #tpu.memory_space<hbm>> -> memref<250016x128xf32, #tpu.memory_space<hbm>>
    tpu.enqueue_indirect_dma source(%dma_start3A_468 : memref<250016x128xf32, #tpu.memory_space<hbm>>) target(%dma_start3A_465 : memref<128x128xf32, #tpu.memory_space<vmem>>) offsets(%arg9 : memref<128xi32, #tpu.memory_space<vmem>>) semaphore(%arg14 : memref<!tpu.dma_semaphore, #tpu.memory_space<semaphore_mem>>)
    %scan3A = arith.constant 0 : i32
    %scan3A_469 = arith.constant 0 : i32
    %scan3A_470 = arith.constant 32 : i32
    %scan3A_471 = arith.addi %scan3A_469, %scan3A_470 : i32
    %scan3A_472 = arith.constant 1 : i32
    scf.for %scan3A_474 = %scan3A_469 to %scan3A_471 step %scan3A_472  : i32 {
      %mul3A_475 = arith.constant 2 : i32
      %mul3A_476 = arith.muli %mul3A_475, %scan3A_474 : i32
      %dma_wait3A = arith.constant 0 : i32
      %dma_wait3A_477 = arith.constant 0 : i32
      %dma_wait3A_478 = tpu.memref_slice %arg3[%dma_wait3A, %dma_wait3A_477] : memref<250016x128xf32, #tpu.memory_space<hbm>> -> memref<256x128xf32, #tpu.memory_space<hbm>>
      %dma_wait3A_479 = arith.constant 0 : i32
      %dma_wait3A_480 = arith.constant 0 : i32
      %dma_wait3A_481 = tpu.memref_slice %arg3[%dma_wait3A_479, %dma_wait3A_480] : memref<250016x128xf32, #tpu.memory_space<hbm>> -> memref<256x128xf32, #tpu.memory_space<hbm>>
      tpu.wait_dma2 semaphore(%arg13 : memref<!tpu.dma_semaphore, #tpu.memory_space<semaphore_mem>>) src(%dma_wait3A_481 : memref<256x128xf32, #tpu.memory_space<hbm>>) dst(%arg10 : memref<256x128xf32, #tpu.memory_space<vmem>>)
      %shift_right_arithmetic3A_482 = arith.constant 1 : i32
      %shift_right_arithmetic3A_483 = arith.shrsi %mul3A_476, %shift_right_arithmetic3A_482 : i32
      %and3A_484 = arith.constant 1 : i32
      %and3A_485 = arith.andi %mul3A_476, %and3A_484 : i32
      %mul3A_486 = arith.constant 16 : i32
      %mul3A_487 = arith.muli %shift_right_arithmetic3A_483, %mul3A_486 : i32
      %get3A_488 = arith.index_cast %mul3A_487 : i32 to index
      %get3A_489 = tpu.vector_load %arg5[%get3A_488] {strides = array<i32>} : memref<512xi32, #tpu.memory_space<vmem>>, vector<16xi32>,
      %and3A_490 = arith.constant 127 : i32
      %and3A_491 = vector.broadcast %and3A_490 : i32 to vector<16xi32>
      %and3A_492 = arith.andi %get3A_489, %and3A_491 : vector<16xi32>
      %iota3A = tpu.iota {dimensions = array<i32: 0>} : vector<16xi32>
      %add3A_493 = arith.constant 0 : i32
      %add3A_494 = vector.broadcast %add3A_493 : i32 to vector<16xi32>
      %add3A_495 = arith.addi %add3A_494, %iota3A : vector<16xi32>
      %gather3A = tpu.vector_load_idx %arg10[%add3A_495, %and3A_492] : memref<256x128xf32, #tpu.memory_space<vmem>>[vector<16xi32>, vector<16xi32>], vector<16xf32>,
      %mul3A_496 = arith.constant 16 : i32
      %mul3A_497 = arith.muli %mul3A_496, %and3A_485 : i32
      %add3A_498 = arith.constant 0 : i32
      %add3A_499 = arith.addi %mul3A_497, %add3A_498 : i32
      %mul3A_500 = arith.constant 16 : i32
      %mul3A_501 = arith.muli %shift_right_arithmetic3A_483, %mul3A_500 : i32
      %multiple_of3A_502 = tpu.assume_multiple %mul3A_501, 16 : i32
      %swap3A_503 = arith.index_cast %add3A_499 : i32 to index
      %swap3A_504 = arith.index_cast %multiple_of3A_502 : i32 to index
      %swap3A_505 = tpu.vector_load %arg12[%swap3A_503, %swap3A_504] {strides = array<i32>} : memref<32x512xf32, #tpu.memory_space<vmem>>, vector<16xf32>,
      tpu.vector_store %arg12[%swap3A_503, %swap3A_504], %gather3A {strides = array<i32>} : memref<32x512xf32, #tpu.memory_space<vmem>>, vector<16xf32>,
      %iota3A_506 = tpu.iota {dimensions = array<i32: 0>} : vector<16xi32>
      %add3A_507 = arith.constant 16 : i32
      %add3A_508 = vector.broadcast %add3A_507 : i32 to vector<16xi32>
      %add3A_509 = arith.addi %add3A_508, %iota3A_506 : vector<16xi32>
      %gather3A_510 = tpu.vector_load_idx %arg10[%add3A_509, %and3A_492] : memref<256x128xf32, #tpu.memory_space<vmem>>[vector<16xi32>, vector<16xi32>], vector<16xf32>,
      %mul3A_511 = arith.constant 16 : i32
      %mul3A_512 = arith.muli %mul3A_511, %and3A_485 : i32
      %add3A_513 = arith.constant 1 : i32
      %add3A_514 = arith.addi %mul3A_512, %add3A_513 : i32
      %mul3A_515 = arith.constant 16 : i32
      %mul3A_516 = arith.muli %shift_right_arithmetic3A_483, %mul3A_515 : i32
      %multiple_of3A_517 = tpu.assume_multiple %mul3A_516, 16 : i32
      %swap3A_518 = arith.index_cast %add3A_514 : i32 to index
      %swap3A_519 = arith.index_cast %multiple_of3A_517 : i32 to index
      %swap3A_520 = tpu.vector_load %arg12[%swap3A_518, %swap3A_519] {strides = array<i32>} : memref<32x512xf32, #tpu.memory_space<vmem>>, vector<16xf32>,
      tpu.vector_store %arg12[%swap3A_518, %swap3A_519], %gather3A_510 {strides = array<i32>} : memref<32x512xf32, #tpu.memory_space<vmem>>, vector<16xf32>,
      %iota3A_521 = tpu.iota {dimensions = array<i32: 0>} : vector<16xi32>
      %add3A_522 = arith.constant 32 : i32
      %add3A_523 = vector.broadcast %add3A_522 : i32 to vector<16xi32>
      %add3A_524 = arith.addi %add3A_523, %iota3A_521 : vector<16xi32>
      %gather3A_525 = tpu.vector_load_idx %arg10[%add3A_524, %and3A_492] : memref<256x128xf32, #tpu.memory_space<vmem>>[vector<16xi32>, vector<16xi32>], vector<16xf32>,
      %mul3A_526 = arith.constant 16 : i32
      %mul3A_527 = arith.muli %mul3A_526, %and3A_485 : i32
      %add3A_528 = arith.constant 2 : i32
      %add3A_529 = arith.addi %mul3A_527, %add3A_528 : i32
      %mul3A_530 = arith.constant 16 : i32
      %mul3A_531 = arith.muli %shift_right_arithmetic3A_483, %mul3A_530 : i32
      %multiple_of3A_532 = tpu.assume_multiple %mul3A_531, 16 : i32
      %swap3A_533 = arith.index_cast %add3A_529 : i32 to index
      %swap3A_534 = arith.index_cast %multiple_of3A_532 : i32 to index
      %swap3A_535 = tpu.vector_load %arg12[%swap3A_533, %swap3A_534] {strides = array<i32>} : memref<32x512xf32, #tpu.memory_space<vmem>>, vector<16xf32>,
      tpu.vector_store %arg12[%swap3A_533, %swap3A_534], %gather3A_525 {strides = array<i32>} : memref<32x512xf32, #tpu.memory_space<vmem>>, vector<16xf32>,
      %iota3A_536 = tpu.iota {dimensions = array<i32: 0>} : vector<16xi32>
      %add3A_537 = arith.constant 48 : i32
      %add3A_538 = vector.broadcast %add3A_537 : i32 to vector<16xi32>
      %add3A_539 = arith.addi %add3A_538, %iota3A_536 : vector<16xi32>
      %gather3A_540 = tpu.vector_load_idx %arg10[%add3A_539, %and3A_492] : memref<256x128xf32, #tpu.memory_space<vmem>>[vector<16xi32>, vector<16xi32>], vector<16xf32>,
      %mul3A_541 = arith.constant 16 : i32
      %mul3A_542 = arith.muli %mul3A_541, %and3A_485 : i32
      %add3A_543 = arith.constant 3 : i32
      %add3A_544 = arith.addi %mul3A_542, %add3A_543 : i32
      %mul3A_545 = arith.constant 16 : i32
      %mul3A_546 = arith.muli %shift_right_arithmetic3A_483, %mul3A_545 : i32
      %multiple_of3A_547 = tpu.assume_multiple %mul3A_546, 16 : i32
      %swap3A_548 = arith.index_cast %add3A_544 : i32 to index
      %swap3A_549 = arith.index_cast %multiple_of3A_547 : i32 to index
      %swap3A_550 = tpu.vector_load %arg12[%swap3A_548, %swap3A_549] {strides = array<i32>} : memref<32x512xf32, #tpu.memory_space<vmem>>, vector<16xf32>,
      tpu.vector_store %arg12[%swap3A_548, %swap3A_549], %gather3A_540 {strides = array<i32>} : memref<32x512xf32, #tpu.memory_space<vmem>>, vector<16xf32>,
      %iota3A_551 = tpu.iota {dimensions = array<i32: 0>} : vector<16xi32>
      %add3A_552 = arith.constant 64 : i32
      %add3A_553 = vector.broadcast %add3A_552 : i32 to vector<16xi32>
      %add3A_554 = arith.addi %add3A_553, %iota3A_551 : vector<16xi32>
      %gather3A_555 = tpu.vector_load_idx %arg10[%add3A_554, %and3A_492] : memref<256x128xf32, #tpu.memory_space<vmem>>[vector<16xi32>, vector<16xi32>], vector<16xf32>,
      %mul3A_556 = arith.constant 16 : i32
      %mul3A_557 = arith.muli %mul3A_556, %and3A_485 : i32
      %add3A_558 = arith.constant 4 : i32
      %add3A_559 = arith.addi %mul3A_557, %add3A_558 : i32
      %mul3A_560 = arith.constant 16 : i32
      %mul3A_561 = arith.muli %shift_right_arithmetic3A_483, %mul3A_560 : i32
      %multiple_of3A_562 = tpu.assume_multiple %mul3A_561, 16 : i32
      %swap3A_563 = arith.index_cast %add3A_559 : i32 to index
      %swap3A_564 = arith.index_cast %multiple_of3A_562 : i32 to index
      %swap3A_565 = tpu.vector_load %arg12[%swap3A_563, %swap3A_564] {strides = array<i32>} : memref<32x512xf32, #tpu.memory_space<vmem>>, vector<16xf32>,
      tpu.vector_store %arg12[%swap3A_563, %swap3A_564], %gather3A_555 {strides = array<i32>} : memref<32x512xf32, #tpu.memory_space<vmem>>, vector<16xf32>,
      %iota3A_566 = tpu.iota {dimensions = array<i32: 0>} : vector<16xi32>
      %add3A_567 = arith.constant 80 : i32
      %add3A_568 = vector.broadcast %add3A_567 : i32 to vector<16xi32>
      %add3A_569 = arith.addi %add3A_568, %iota3A_566 : vector<16xi32>
      %gather3A_570 = tpu.vector_load_idx %arg10[%add3A_569, %and3A_492] : memref<256x128xf32, #tpu.memory_space<vmem>>[vector<16xi32>, vector<16xi32>], vector<16xf32>,
      %mul3A_571 = arith.constant 16 : i32
      %mul3A_572 = arith.muli %mul3A_571, %and3A_485 : i32
      %add3A_573 = arith.constant 5 : i32
      %add3A_574 = arith.addi %mul3A_572, %add3A_573 : i32
      %mul3A_575 = arith.constant 16 : i32
      %mul3A_576 = arith.muli %shift_right_arithmetic3A_483, %mul3A_575 : i32
      %multiple_of3A_577 = tpu.assume_multiple %mul3A_576, 16 : i32
      %swap3A_578 = arith.index_cast %add3A_574 : i32 to index
      %swap3A_579 = arith.index_cast %multiple_of3A_577 : i32 to index
      %swap3A_580 = tpu.vector_load %arg12[%swap3A_578, %swap3A_579] {strides = array<i32>} : memref<32x512xf32, #tpu.memory_space<vmem>>, vector<16xf32>,
      tpu.vector_store %arg12[%swap3A_578, %swap3A_579], %gather3A_570 {strides = array<i32>} : memref<32x512xf32, #tpu.memory_space<vmem>>, vector<16xf32>,
      %iota3A_581 = tpu.iota {dimensions = array<i32: 0>} : vector<16xi32>
      %add3A_582 = arith.constant 96 : i32
      %add3A_583 = vector.broadcast %add3A_582 : i32 to vector<16xi32>
      %add3A_584 = arith.addi %add3A_583, %iota3A_581 : vector<16xi32>
      %gather3A_585 = tpu.vector_load_idx %arg10[%add3A_584, %and3A_492] : memref<256x128xf32, #tpu.memory_space<vmem>>[vector<16xi32>, vector<16xi32>], vector<16xf32>,
      %mul3A_586 = arith.constant 16 : i32
      %mul3A_587 = arith.muli %mul3A_586, %and3A_485 : i32
      %add3A_588 = arith.constant 6 : i32
      %add3A_589 = arith.addi %mul3A_587, %add3A_588 : i32
      %mul3A_590 = arith.constant 16 : i32
      %mul3A_591 = arith.muli %shift_right_arithmetic3A_483, %mul3A_590 : i32
      %multiple_of3A_592 = tpu.assume_multiple %mul3A_591, 16 : i32
      %swap3A_593 = arith.index_cast %add3A_589 : i32 to index
      %swap3A_594 = arith.index_cast %multiple_of3A_592 : i32 to index
      %swap3A_595 = tpu.vector_load %arg12[%swap3A_593, %swap3A_594] {strides = array<i32>} : memref<32x512xf32, #tpu.memory_space<vmem>>, vector<16xf32>,
      tpu.vector_store %arg12[%swap3A_593, %swap3A_594], %gather3A_585 {strides = array<i32>} : memref<32x512xf32, #tpu.memory_space<vmem>>, vector<16xf32>,
      %iota3A_596 = tpu.iota {dimensions = array<i32: 0>} : vector<16xi32>
      %add3A_597 = arith.constant 112 : i32
      %add3A_598 = vector.broadcast %add3A_597 : i32 to vector<16xi32>
      %add3A_599 = arith.addi %add3A_598, %iota3A_596 : vector<16xi32>
      %gather3A_600 = tpu.vector_load_idx %arg10[%add3A_599, %and3A_492] : memref<256x128xf32, #tpu.memory_space<vmem>>[vector<16xi32>, vector<16xi32>], vector<16xf32>,
      %mul3A_601 = arith.constant 16 : i32
      %mul3A_602 = arith.muli %mul3A_601, %and3A_485 : i32
      %add3A_603 = arith.constant 7 : i32
      %add3A_604 = arith.addi %mul3A_602, %add3A_603 : i32
      %mul3A_605 = arith.constant 16 : i32
      %mul3A_606 = arith.muli %shift_right_arithmetic3A_483, %mul3A_605 : i32
      %multiple_of3A_607 = tpu.assume_multiple %mul3A_606, 16 : i32
      %swap3A_608 = arith.index_cast %add3A_604 : i32 to index
      %swap3A_609 = arith.index_cast %multiple_of3A_607 : i32 to index
      %swap3A_610 = tpu.vector_load %arg12[%swap3A_608, %swap3A_609] {strides = array<i32>} : memref<32x512xf32, #tpu.memory_space<vmem>>, vector<16xf32>,
      tpu.vector_store %arg12[%swap3A_608, %swap3A_609], %gather3A_600 {strides = array<i32>} : memref<32x512xf32, #tpu.memory_space<vmem>>, vector<16xf32>,
      %iota3A_611 = tpu.iota {dimensions = array<i32: 0>} : vector<16xi32>
      %add3A_612 = arith.constant 128 : i32
      %add3A_613 = vector.broadcast %add3A_612 : i32 to vector<16xi32>
      %add3A_614 = arith.addi %add3A_613, %iota3A_611 : vector<16xi32>
      %gather3A_615 = tpu.vector_load_idx %arg10[%add3A_614, %and3A_492] : memref<256x128xf32, #tpu.memory_space<vmem>>[vector<16xi32>, vector<16xi32>], vector<16xf32>,
      %mul3A_616 = arith.constant 16 : i32
      %mul3A_617 = arith.muli %mul3A_616, %and3A_485 : i32
      %add3A_618 = arith.constant 8 : i32
      %add3A_619 = arith.addi %mul3A_617, %add3A_618 : i32
      %mul3A_620 = arith.constant 16 : i32
      %mul3A_621 = arith.muli %shift_right_arithmetic3A_483, %mul3A_620 : i32
      %multiple_of3A_622 = tpu.assume_multiple %mul3A_621, 16 : i32
      %swap3A_623 = arith.index_cast %add3A_619 : i32 to index
      %swap3A_624 = arith.index_cast %multiple_of3A_622 : i32 to index
      %swap3A_625 = tpu.vector_load %arg12[%swap3A_623, %swap3A_624] {strides = array<i32>} : memref<32x512xf32, #tpu.memory_space<vmem>>, vector<16xf32>,
      tpu.vector_store %arg12[%swap3A_623, %swap3A_624], %gather3A_615 {strides = array<i32>} : memref<32x512xf32, #tpu.memory_space<vmem>>, vector<16xf32>,
      %iota3A_626 = tpu.iota {dimensions = array<i32: 0>} : vector<16xi32>
      %add3A_627 = arith.constant 144 : i32
      %add3A_628 = vector.broadcast %add3A_627 : i32 to vector<16xi32>
      %add3A_629 = arith.addi %add3A_628, %iota3A_626 : vector<16xi32>
      %gather3A_630 = tpu.vector_load_idx %arg10[%add3A_629, %and3A_492] : memref<256x128xf32, #tpu.memory_space<vmem>>[vector<16xi32>, vector<16xi32>], vector<16xf32>,
      %mul3A_631 = arith.constant 16 : i32
      %mul3A_632 = arith.muli %mul3A_631, %and3A_485 : i32
      %add3A_633 = arith.constant 9 : i32
      %add3A_634 = arith.addi %mul3A_632, %add3A_633 : i32
      %mul3A_635 = arith.constant 16 : i32
      %mul3A_636 = arith.muli %shift_right_arithmetic3A_483, %mul3A_635 : i32
      %multiple_of3A_637 = tpu.assume_multiple %mul3A_636, 16 : i32
      %swap3A_638 = arith.index_cast %add3A_634 : i32 to index
      %swap3A_639 = arith.index_cast %multiple_of3A_637 : i32 to index
      %swap3A_640 = tpu.vector_load %arg12[%swap3A_638, %swap3A_639] {strides = array<i32>} : memref<32x512xf32, #tpu.memory_space<vmem>>, vector<16xf32>,
      tpu.vector_store %arg12[%swap3A_638, %swap3A_639], %gather3A_630 {strides = array<i32>} : memref<32x512xf32, #tpu.memory_space<vmem>>, vector<16xf32>,
      %iota3A_641 = tpu.iota {dimensions = array<i32: 0>} : vector<16xi32>
      %add3A_642 = arith.constant 160 : i32
      %add3A_643 = vector.broadcast %add3A_642 : i32 to vector<16xi32>
      %add3A_644 = arith.addi %add3A_643, %iota3A_641 : vector<16xi32>
      %gather3A_645 = tpu.vector_load_idx %arg10[%add3A_644, %and3A_492] : memref<256x128xf32, #tpu.memory_space<vmem>>[vector<16xi32>, vector<16xi32>], vector<16xf32>,
      %mul3A_646 = arith.constant 16 : i32
      %mul3A_647 = arith.muli %mul3A_646, %and3A_485 : i32
      %add3A_648 = arith.constant 10 : i32
      %add3A_649 = arith.addi %mul3A_647, %add3A_648 : i32
      %mul3A_650 = arith.constant 16 : i32
      %mul3A_651 = arith.muli %shift_right_arithmetic3A_483, %mul3A_650 : i32
      %multiple_of3A_652 = tpu.assume_multiple %mul3A_651, 16 : i32
      %swap3A_653 = arith.index_cast %add3A_649 : i32 to index
      %swap3A_654 = arith.index_cast %multiple_of3A_652 : i32 to index
      %swap3A_655 = tpu.vector_load %arg12[%swap3A_653, %swap3A_654] {strides = array<i32>} : memref<32x512xf32, #tpu.memory_space<vmem>>, vector<16xf32>,
      tpu.vector_store %arg12[%swap3A_653, %swap3A_654], %gather3A_645 {strides = array<i32>} : memref<32x512xf32, #tpu.memory_space<vmem>>, vector<16xf32>,
      %iota3A_656 = tpu.iota {dimensions = array<i32: 0>} : vector<16xi32>
      %add3A_657 = arith.constant 176 : i32
      %add3A_658 = vector.broadcast %add3A_657 : i32 to vector<16xi32>
      %add3A_659 = arith.addi %add3A_658, %iota3A_656 : vector<16xi32>
      %gather3A_660 = tpu.vector_load_idx %arg10[%add3A_659, %and3A_492] : memref<256x128xf32, #tpu.memory_space<vmem>>[vector<16xi32>, vector<16xi32>], vector<16xf32>,
      %mul3A_661 = arith.constant 16 : i32
      %mul3A_662 = arith.muli %mul3A_661, %and3A_485 : i32
      %add3A_663 = arith.constant 11 : i32
      %add3A_664 = arith.addi %mul3A_662, %add3A_663 : i32
      %mul3A_665 = arith.constant 16 : i32
      %mul3A_666 = arith.muli %shift_right_arithmetic3A_483, %mul3A_665 : i32
      %multiple_of3A_667 = tpu.assume_multiple %mul3A_666, 16 : i32
      %swap3A_668 = arith.index_cast %add3A_664 : i32 to index
      %swap3A_669 = arith.index_cast %multiple_of3A_667 : i32 to index
      %swap3A_670 = tpu.vector_load %arg12[%swap3A_668, %swap3A_669] {strides = array<i32>} : memref<32x512xf32, #tpu.memory_space<vmem>>, vector<16xf32>,
      tpu.vector_store %arg12[%swap3A_668, %swap3A_669], %gather3A_660 {strides = array<i32>} : memref<32x512xf32, #tpu.memory_space<vmem>>, vector<16xf32>,
      %iota3A_671 = tpu.iota {dimensions = array<i32: 0>} : vector<16xi32>
      %add3A_672 = arith.constant 192 : i32
      %add3A_673 = vector.broadcast %add3A_672 : i32 to vector<16xi32>
      %add3A_674 = arith.addi %add3A_673, %iota3A_671 : vector<16xi32>
      %gather3A_675 = tpu.vector_load_idx %arg10[%add3A_674, %and3A_492] : memref<256x128xf32, #tpu.memory_space<vmem>>[vector<16xi32>, vector<16xi32>], vector<16xf32>,
      %mul3A_676 = arith.constant 16 : i32
      %mul3A_677 = arith.muli %mul3A_676, %and3A_485 : i32
      %add3A_678 = arith.constant 12 : i32
      %add3A_679 = arith.addi %mul3A_677, %add3A_678 : i32
      %mul3A_680 = arith.constant 16 : i32
      %mul3A_681 = arith.muli %shift_right_arithmetic3A_483, %mul3A_680 : i32
      %multiple_of3A_682 = tpu.assume_multiple %mul3A_681, 16 : i32
      %swap3A_683 = arith.index_cast %add3A_679 : i32 to index
      %swap3A_684 = arith.index_cast %multiple_of3A_682 : i32 to index
      %swap3A_685 = tpu.vector_load %arg12[%swap3A_683, %swap3A_684] {strides = array<i32>} : memref<32x512xf32, #tpu.memory_space<vmem>>, vector<16xf32>,
      tpu.vector_store %arg12[%swap3A_683, %swap3A_684], %gather3A_675 {strides = array<i32>} : memref<32x512xf32, #tpu.memory_space<vmem>>, vector<16xf32>,
      %iota3A_686 = tpu.iota {dimensions = array<i32: 0>} : vector<16xi32>
      %add3A_687 = arith.constant 208 : i32
      %add3A_688 = vector.broadcast %add3A_687 : i32 to vector<16xi32>
      %add3A_689 = arith.addi %add3A_688, %iota3A_686 : vector<16xi32>
      %gather3A_690 = tpu.vector_load_idx %arg10[%add3A_689, %and3A_492] : memref<256x128xf32, #tpu.memory_space<vmem>>[vector<16xi32>, vector<16xi32>], vector<16xf32>,
      %mul3A_691 = arith.constant 16 : i32
      %mul3A_692 = arith.muli %mul3A_691, %and3A_485 : i32
      %add3A_693 = arith.constant 13 : i32
      %add3A_694 = arith.addi %mul3A_692, %add3A_693 : i32
      %mul3A_695 = arith.constant 16 : i32
      %mul3A_696 = arith.muli %shift_right_arithmetic3A_483, %mul3A_695 : i32
      %multiple_of3A_697 = tpu.assume_multiple %mul3A_696, 16 : i32
      %swap3A_698 = arith.index_cast %add3A_694 : i32 to index
      %swap3A_699 = arith.index_cast %multiple_of3A_697 : i32 to index
      %swap3A_700 = tpu.vector_load %arg12[%swap3A_698, %swap3A_699] {strides = array<i32>} : memref<32x512xf32, #tpu.memory_space<vmem>>, vector<16xf32>,
      tpu.vector_store %arg12[%swap3A_698, %swap3A_699], %gather3A_690 {strides = array<i32>} : memref<32x512xf32, #tpu.memory_space<vmem>>, vector<16xf32>,
      %iota3A_701 = tpu.iota {dimensions = array<i32: 0>} : vector<16xi32>
      %add3A_702 = arith.constant 224 : i32
      %add3A_703 = vector.broadcast %add3A_702 : i32 to vector<16xi32>
      %add3A_704 = arith.addi %add3A_703, %iota3A_701 : vector<16xi32>
      %gather3A_705 = tpu.vector_load_idx %arg10[%add3A_704, %and3A_492] : memref<256x128xf32, #tpu.memory_space<vmem>>[vector<16xi32>, vector<16xi32>], vector<16xf32>,
      %mul3A_706 = arith.constant 16 : i32
      %mul3A_707 = arith.muli %mul3A_706, %and3A_485 : i32
      %add3A_708 = arith.constant 14 : i32
      %add3A_709 = arith.addi %mul3A_707, %add3A_708 : i32
      %mul3A_710 = arith.constant 16 : i32
      %mul3A_711 = arith.muli %shift_right_arithmetic3A_483, %mul3A_710 : i32
      %multiple_of3A_712 = tpu.assume_multiple %mul3A_711, 16 : i32
      %swap3A_713 = arith.index_cast %add3A_709 : i32 to index
      %swap3A_714 = arith.index_cast %multiple_of3A_712 : i32 to index
      %swap3A_715 = tpu.vector_load %arg12[%swap3A_713, %swap3A_714] {strides = array<i32>} : memref<32x512xf32, #tpu.memory_space<vmem>>, vector<16xf32>,
      tpu.vector_store %arg12[%swap3A_713, %swap3A_714], %gather3A_705 {strides = array<i32>} : memref<32x512xf32, #tpu.memory_space<vmem>>, vector<16xf32>,
      %iota3A_716 = tpu.iota {dimensions = array<i32: 0>} : vector<16xi32>
      %add3A_717 = arith.constant 240 : i32
      %add3A_718 = vector.broadcast %add3A_717 : i32 to vector<16xi32>
      %add3A_719 = arith.addi %add3A_718, %iota3A_716 : vector<16xi32>
      %gather3A_720 = tpu.vector_load_idx %arg10[%add3A_719, %and3A_492] : memref<256x128xf32, #tpu.memory_space<vmem>>[vector<16xi32>, vector<16xi32>], vector<16xf32>,
      %mul3A_721 = arith.constant 16 : i32
      %mul3A_722 = arith.muli %mul3A_721, %and3A_485 : i32
      %add3A_723 = arith.constant 15 : i32
      %add3A_724 = arith.addi %mul3A_722, %add3A_723 : i32
      %mul3A_725 = arith.constant 16 : i32
      %mul3A_726 = arith.muli %shift_right_arithmetic3A_483, %mul3A_725 : i32
      %multiple_of3A_727 = tpu.assume_multiple %mul3A_726, 16 : i32
      %swap3A_728 = arith.index_cast %add3A_724 : i32 to index
      %swap3A_729 = arith.index_cast %multiple_of3A_727 : i32 to index
      %swap3A_730 = tpu.vector_load %arg12[%swap3A_728, %swap3A_729] {strides = array<i32>} : memref<32x512xf32, #tpu.memory_space<vmem>>, vector<16xf32>,
      tpu.vector_store %arg12[%swap3A_728, %swap3A_729], %gather3A_720 {strides = array<i32>} : memref<32x512xf32, #tpu.memory_space<vmem>>, vector<16xf32>,
      %add3A_731 = arith.constant 2 : i32
      %add3A_732 = arith.addi %mul3A_476, %add3A_731 : i32
      %lt3A = arith.constant 64 : i32
      %lt3A_733 = arith.cmpi slt, %add3A_732, %lt3A : i32
      %convert_element_type3A = arith.extui %lt3A_733 : i1 to i32
      %cond3A = arith.constant 0 : i32
      %cond3A_734 = arith.cmpi ne, %convert_element_type3A, %cond3A : i32
      scf.if %cond3A_734 {
        %add3A_1001 = arith.constant 2 : i32
        %add3A_1002 = arith.addi %mul3A_476, %add3A_1001 : i32
        %shift_right_arithmetic3A_1003 = arith.constant 1 : i32
        %shift_right_arithmetic3A_1004 = arith.shrsi %add3A_1002, %shift_right_arithmetic3A_1003 : i32
        %and3A_1005 = arith.constant 1 : i32
        %and3A_1006 = arith.andi %add3A_1002, %and3A_1005 : i32
        %mul3A_1007 = arith.constant 16 : i32
        %mul3A_1008 = arith.muli %shift_right_arithmetic3A_1004, %mul3A_1007 : i32
        %get3A_1009 = arith.index_cast %mul3A_1008 : i32 to index
        %get3A_1010 = tpu.vector_load %arg5[%get3A_1009] {strides = array<i32>} : memref<512xi32, #tpu.memory_space<vmem>>, vector<16xi32>,
        %shift_right_arithmetic3A_1011 = arith.constant 7 : i32
        %shift_right_arithmetic3A_1012 = vector.broadcast %shift_right_arithmetic3A_1011 : i32 to vector<16xi32>
        %shift_right_arithmetic3A_1013 = arith.shrsi %get3A_1010, %shift_right_arithmetic3A_1012 : vector<16xi32>
        %shift_left3A_1014 = arith.constant 3 : i32
        %shift_left3A_1015 = vector.broadcast %shift_left3A_1014 : i32 to vector<16xi32>
        %shift_left3A_1016 = arith.shli %shift_right_arithmetic3A_1013, %shift_left3A_1015 : vector<16xi32>
        %mul3A_1017 = arith.constant 2 : i32
        %mul3A_1018 = arith.muli %mul3A_1017, %and3A_1006 : i32
        %mul3A_1019 = arith.constant 8 : i32
        %mul3A_1020 = arith.muli %mul3A_1018, %mul3A_1019 : i32
        %mul3A_1021 = arith.constant 7813 : i32
        %mul3A_1022 = arith.muli %mul3A_1020, %mul3A_1021 : i32
        %add3A_1023 = arith.constant 0 : i32
        %add3A_1024 = arith.addi %mul3A_1022, %add3A_1023 : i32
        %add3A_1025 = vector.broadcast %add3A_1024 : i32 to vector<16xi32>
        %add3A_1026 = arith.addi %shift_left3A_1016, %add3A_1025 : vector<16xi32>
        %swap3A_1027 = arith.constant 0 : index
        %swap3A_1028 = tpu.vector_load %arg6[%swap3A_1027] {strides = array<i32>} : memref<128xi32, #tpu.memory_space<vmem>>, vector<16xi32>,
        tpu.vector_store %arg6[%swap3A_1027], %add3A_1026 {strides = array<i32>} : memref<128xi32, #tpu.memory_space<vmem>>, vector<16xi32>,
        %mul3A_1029 = arith.constant 2 : i32
        %mul3A_1030 = arith.muli %mul3A_1029, %and3A_1006 : i32
        %add3A_1031 = arith.constant 1 : i32
        %add3A_1032 = arith.addi %mul3A_1030, %add3A_1031 : i32
        %mul3A_1033 = arith.constant 8 : i32
        %mul3A_1034 = arith.muli %add3A_1032, %mul3A_1033 : i32
        %mul3A_1035 = arith.constant 7813 : i32
        %mul3A_1036 = arith.muli %mul3A_1034, %mul3A_1035 : i32
        %add3A_1037 = arith.constant 0 : i32
        %add3A_1038 = arith.addi %mul3A_1036, %add3A_1037 : i32
        %add3A_1039 = vector.broadcast %add3A_1038 : i32 to vector<16xi32>
        %add3A_1040 = arith.addi %shift_left3A_1016, %add3A_1039 : vector<16xi32>
        %swap3A_1041 = arith.constant 0 : index
        %swap3A_1042 = tpu.vector_load %arg7[%swap3A_1041] {strides = array<i32>} : memref<128xi32, #tpu.memory_space<vmem>>, vector<16xi32>,
        tpu.vector_store %arg7[%swap3A_1041], %add3A_1040 {strides = array<i32>} : memref<128xi32, #tpu.memory_space<vmem>>, vector<16xi32>,
        %mul3A_1043 = arith.constant 2 : i32
        %mul3A_1044 = arith.muli %mul3A_1043, %and3A_1006 : i32
        %mul3A_1045 = arith.constant 8 : i32
        %mul3A_1046 = arith.muli %mul3A_1044, %mul3A_1045 : i32
        %mul3A_1047 = arith.constant 7813 : i32
        %mul3A_1048 = arith.muli %mul3A_1046, %mul3A_1047 : i32
        %add3A_1049 = arith.constant 1 : i32
        %add3A_1050 = arith.addi %mul3A_1048, %add3A_1049 : i32
        %add3A_1051 = vector.broadcast %add3A_1050 : i32 to vector<16xi32>
        %add3A_1052 = arith.addi %shift_left3A_1016, %add3A_1051 : vector<16xi32>
        %swap3A_1053 = arith.constant 16 : index
        %swap3A_1054 = tpu.vector_load %arg6[%swap3A_1053] {strides = array<i32>} : memref<128xi32, #tpu.memory_space<vmem>>, vector<16xi32>,
        tpu.vector_store %arg6[%swap3A_1053], %add3A_1052 {strides = array<i32>} : memref<128xi32, #tpu.memory_space<vmem>>, vector<16xi32>,
        %mul3A_1055 = arith.constant 2 : i32
        %mul3A_1056 = arith.muli %mul3A_1055, %and3A_1006 : i32
        %add3A_1057 = arith.constant 1 : i32
        %add3A_1058 = arith.addi %mul3A_1056, %add3A_1057 : i32
        %mul3A_1059 = arith.constant 8 : i32
        %mul3A_1060 = arith.muli %add3A_1058, %mul3A_1059 : i32
        %mul3A_1061 = arith.constant 7813 : i32
        %mul3A_1062 = arith.muli %mul3A_1060, %mul3A_1061 : i32
        %add3A_1063 = arith.constant 1 : i32
        %add3A_1064 = arith.addi %mul3A_1062, %add3A_1063 : i32
        %add3A_1065 = vector.broadcast %add3A_1064 : i32 to vector<16xi32>
        %add3A_1066 = arith.addi %shift_left3A_1016, %add3A_1065 : vector<16xi32>
        %swap3A_1067 = arith.constant 16 : index
        %swap3A_1068 = tpu.vector_load %arg7[%swap3A_1067] {strides = array<i32>} : memref<128xi32, #tpu.memory_space<vmem>>, vector<16xi32>,
        tpu.vector_store %arg7[%swap3A_1067], %add3A_1066 {strides = array<i32>} : memref<128xi32, #tpu.memory_space<vmem>>, vector<16xi32>,
        %mul3A_1069 = arith.constant 2 : i32
        %mul3A_1070 = arith.muli %mul3A_1069, %and3A_1006 : i32
        %mul3A_1071 = arith.constant 8 : i32
        %mul3A_1072 = arith.muli %mul3A_1070, %mul3A_1071 : i32
        %mul3A_1073 = arith.constant 7813 : i32
        %mul3A_1074 = arith.muli %mul3A_1072, %mul3A_1073 : i32
        %add3A_1075 = arith.constant 2 : i32
        %add3A_1076 = arith.addi %mul3A_1074, %add3A_1075 : i32
        %add3A_1077 = vector.broadcast %add3A_1076 : i32 to vector<16xi32>
        %add3A_1078 = arith.addi %shift_left3A_1016, %add3A_1077 : vector<16xi32>
        %swap3A_1079 = arith.constant 32 : index
        %swap3A_1080 = tpu.vector_load %arg6[%swap3A_1079] {strides = array<i32>} : memref<128xi32, #tpu.memory_space<vmem>>, vector<16xi32>,
        tpu.vector_store %arg6[%swap3A_1079], %add3A_1078 {strides = array<i32>} : memref<128xi32, #tpu.memory_space<vmem>>, vector<16xi32>,
        %mul3A_1081 = arith.constant 2 : i32
        %mul3A_1082 = arith.muli %mul3A_1081, %and3A_1006 : i32
        %add3A_1083 = arith.constant 1 : i32
        %add3A_1084 = arith.addi %mul3A_1082, %add3A_1083 : i32
        %mul3A_1085 = arith.constant 8 : i32
        %mul3A_1086 = arith.muli %add3A_1084, %mul3A_1085 : i32
        %mul3A_1087 = arith.constant 7813 : i32
        %mul3A_1088 = arith.muli %mul3A_1086, %mul3A_1087 : i32
        %add3A_1089 = arith.constant 2 : i32
        %add3A_1090 = arith.addi %mul3A_1088, %add3A_1089 : i32
        %add3A_1091 = vector.broadcast %add3A_1090 : i32 to vector<16xi32>
        %add3A_1092 = arith.addi %shift_left3A_1016, %add3A_1091 : vector<16xi32>
        %swap3A_1093 = arith.constant 32 : index
        %swap3A_1094 = tpu.vector_load %arg7[%swap3A_1093] {strides = array<i32>} : memref<128xi32, #tpu.memory_space<vmem>>, vector<16xi32>,
        tpu.vector_store %arg7[%swap3A_1093], %add3A_1092 {strides = array<i32>} : memref<128xi32, #tpu.memory_space<vmem>>, vector<16xi32>,
        %mul3A_1095 = arith.constant 2 : i32
        %mul3A_1096 = arith.muli %mul3A_1095, %and3A_1006 : i32
        %mul3A_1097 = arith.constant 8 : i32
        %mul3A_1098 = arith.muli %mul3A_1096, %mul3A_1097 : i32
        %mul3A_1099 = arith.constant 7813 : i32
        %mul3A_1100 = arith.muli %mul3A_1098, %mul3A_1099 : i32
        %add3A_1101 = arith.constant 3 : i32
        %add3A_1102 = arith.addi %mul3A_1100, %add3A_1101 : i32
        %add3A_1103 = vector.broadcast %add3A_1102 : i32 to vector<16xi32>
        %add3A_1104 = arith.addi %shift_left3A_1016, %add3A_1103 : vector<16xi32>
        %swap3A_1105 = arith.constant 48 : index
        %swap3A_1106 = tpu.vector_load %arg6[%swap3A_1105] {strides = array<i32>} : memref<128xi32, #tpu.memory_space<vmem>>, vector<16xi32>,
        tpu.vector_store %arg6[%swap3A_1105], %add3A_1104 {strides = array<i32>} : memref<128xi32, #tpu.memory_space<vmem>>, vector<16xi32>,
        %mul3A_1107 = arith.constant 2 : i32
        %mul3A_1108 = arith.muli %mul3A_1107, %and3A_1006 : i32
        %add3A_1109 = arith.constant 1 : i32
        %add3A_1110 = arith.addi %mul3A_1108, %add3A_1109 : i32
        %mul3A_1111 = arith.constant 8 : i32
        %mul3A_1112 = arith.muli %add3A_1110, %mul3A_1111 : i32
        %mul3A_1113 = arith.constant 7813 : i32
        %mul3A_1114 = arith.muli %mul3A_1112, %mul3A_1113 : i32
        %add3A_1115 = arith.constant 3 : i32
        %add3A_1116 = arith.addi %mul3A_1114, %add3A_1115 : i32
        %add3A_1117 = vector.broadcast %add3A_1116 : i32 to vector<16xi32>
        %add3A_1118 = arith.addi %shift_left3A_1016, %add3A_1117 : vector<16xi32>
        %swap3A_1119 = arith.constant 48 : index
        %swap3A_1120 = tpu.vector_load %arg7[%swap3A_1119] {strides = array<i32>} : memref<128xi32, #tpu.memory_space<vmem>>, vector<16xi32>,
        tpu.vector_store %arg7[%swap3A_1119], %add3A_1118 {strides = array<i32>} : memref<128xi32, #tpu.memory_space<vmem>>, vector<16xi32>,
        %mul3A_1121 = arith.constant 2 : i32
        %mul3A_1122 = arith.muli %mul3A_1121, %and3A_1006 : i32
        %mul3A_1123 = arith.constant 8 : i32
        %mul3A_1124 = arith.muli %mul3A_1122, %mul3A_1123 : i32
        %mul3A_1125 = arith.constant 7813 : i32
        %mul3A_1126 = arith.muli %mul3A_1124, %mul3A_1125 : i32
        %add3A_1127 = arith.constant 4 : i32
        %add3A_1128 = arith.addi %mul3A_1126, %add3A_1127 : i32
        %add3A_1129 = vector.broadcast %add3A_1128 : i32 to vector<16xi32>
        %add3A_1130 = arith.addi %shift_left3A_1016, %add3A_1129 : vector<16xi32>
        %swap3A_1131 = arith.constant 64 : index
        %swap3A_1132 = tpu.vector_load %arg6[%swap3A_1131] {strides = array<i32>} : memref<128xi32, #tpu.memory_space<vmem>>, vector<16xi32>,
        tpu.vector_store %arg6[%swap3A_1131], %add3A_1130 {strides = array<i32>} : memref<128xi32, #tpu.memory_space<vmem>>, vector<16xi32>,
        %mul3A_1133 = arith.constant 2 : i32
        %mul3A_1134 = arith.muli %mul3A_1133, %and3A_1006 : i32
        %add3A_1135 = arith.constant 1 : i32
        %add3A_1136 = arith.addi %mul3A_1134, %add3A_1135 : i32
        %mul3A_1137 = arith.constant 8 : i32
        %mul3A_1138 = arith.muli %add3A_1136, %mul3A_1137 : i32
        %mul3A_1139 = arith.constant 7813 : i32
        %mul3A_1140 = arith.muli %mul3A_1138, %mul3A_1139 : i32
        %add3A_1141 = arith.constant 4 : i32
        %add3A_1142 = arith.addi %mul3A_1140, %add3A_1141 : i32
        %add3A_1143 = vector.broadcast %add3A_1142 : i32 to vector<16xi32>
        %add3A_1144 = arith.addi %shift_left3A_1016, %add3A_1143 : vector<16xi32>
        %swap3A_1145 = arith.constant 64 : index
        %swap3A_1146 = tpu.vector_load %arg7[%swap3A_1145] {strides = array<i32>} : memref<128xi32, #tpu.memory_space<vmem>>, vector<16xi32>,
        tpu.vector_store %arg7[%swap3A_1145], %add3A_1144 {strides = array<i32>} : memref<128xi32, #tpu.memory_space<vmem>>, vector<16xi32>,
        %mul3A_1147 = arith.constant 2 : i32
        %mul3A_1148 = arith.muli %mul3A_1147, %and3A_1006 : i32
        %mul3A_1149 = arith.constant 8 : i32
        %mul3A_1150 = arith.muli %mul3A_1148, %mul3A_1149 : i32
        %mul3A_1151 = arith.constant 7813 : i32
        %mul3A_1152 = arith.muli %mul3A_1150, %mul3A_1151 : i32
        %add3A_1153 = arith.constant 5 : i32
        %add3A_1154 = arith.addi %mul3A_1152, %add3A_1153 : i32
        %add3A_1155 = vector.broadcast %add3A_1154 : i32 to vector<16xi32>
        %add3A_1156 = arith.addi %shift_left3A_1016, %add3A_1155 : vector<16xi32>
        %swap3A_1157 = arith.constant 80 : index
        %swap3A_1158 = tpu.vector_load %arg6[%swap3A_1157] {strides = array<i32>} : memref<128xi32, #tpu.memory_space<vmem>>, vector<16xi32>,
        tpu.vector_store %arg6[%swap3A_1157], %add3A_1156 {strides = array<i32>} : memref<128xi32, #tpu.memory_space<vmem>>, vector<16xi32>,
        %mul3A_1159 = arith.constant 2 : i32
        %mul3A_1160 = arith.muli %mul3A_1159, %and3A_1006 : i32
        %add3A_1161 = arith.constant 1 : i32
        %add3A_1162 = arith.addi %mul3A_1160, %add3A_1161 : i32
        %mul3A_1163 = arith.constant 8 : i32
        %mul3A_1164 = arith.muli %add3A_1162, %mul3A_1163 : i32
        %mul3A_1165 = arith.constant 7813 : i32
        %mul3A_1166 = arith.muli %mul3A_1164, %mul3A_1165 : i32
        %add3A_1167 = arith.constant 5 : i32
        %add3A_1168 = arith.addi %mul3A_1166, %add3A_1167 : i32
        %add3A_1169 = vector.broadcast %add3A_1168 : i32 to vector<16xi32>
        %add3A_1170 = arith.addi %shift_left3A_1016, %add3A_1169 : vector<16xi32>
        %swap3A_1171 = arith.constant 80 : index
        %swap3A_1172 = tpu.vector_load %arg7[%swap3A_1171] {strides = array<i32>} : memref<128xi32, #tpu.memory_space<vmem>>, vector<16xi32>,
        tpu.vector_store %arg7[%swap3A_1171], %add3A_1170 {strides = array<i32>} : memref<128xi32, #tpu.memory_space<vmem>>, vector<16xi32>,
        %mul3A_1173 = arith.constant 2 : i32
        %mul3A_1174 = arith.muli %mul3A_1173, %and3A_1006 : i32
        %mul3A_1175 = arith.constant 8 : i32
        %mul3A_1176 = arith.muli %mul3A_1174, %mul3A_1175 : i32
        %mul3A_1177 = arith.constant 7813 : i32
        %mul3A_1178 = arith.muli %mul3A_1176, %mul3A_1177 : i32
        %add3A_1179 = arith.constant 6 : i32
        %add3A_1180 = arith.addi %mul3A_1178, %add3A_1179 : i32
        %add3A_1181 = vector.broadcast %add3A_1180 : i32 to vector<16xi32>
        %add3A_1182 = arith.addi %shift_left3A_1016, %add3A_1181 : vector<16xi32>
        %swap3A_1183 = arith.constant 96 : index
        %swap3A_1184 = tpu.vector_load %arg6[%swap3A_1183] {strides = array<i32>} : memref<128xi32, #tpu.memory_space<vmem>>, vector<16xi32>,
        tpu.vector_store %arg6[%swap3A_1183], %add3A_1182 {strides = array<i32>} : memref<128xi32, #tpu.memory_space<vmem>>, vector<16xi32>,
        %mul3A_1185 = arith.constant 2 : i32
        %mul3A_1186 = arith.muli %mul3A_1185, %and3A_1006 : i32
        %add3A_1187 = arith.constant 1 : i32
        %add3A_1188 = arith.addi %mul3A_1186, %add3A_1187 : i32
        %mul3A_1189 = arith.constant 8 : i32
        %mul3A_1190 = arith.muli %add3A_1188, %mul3A_1189 : i32
        %mul3A_1191 = arith.constant 7813 : i32
        %mul3A_1192 = arith.muli %mul3A_1190, %mul3A_1191 : i32
        %add3A_1193 = arith.constant 6 : i32
        %add3A_1194 = arith.addi %mul3A_1192, %add3A_1193 : i32
        %add3A_1195 = vector.broadcast %add3A_1194 : i32 to vector<16xi32>
        %add3A_1196 = arith.addi %shift_left3A_1016, %add3A_1195 : vector<16xi32>
        %swap3A_1197 = arith.constant 96 : index
        %swap3A_1198 = tpu.vector_load %arg7[%swap3A_1197] {strides = array<i32>} : memref<128xi32, #tpu.memory_space<vmem>>, vector<16xi32>,
        tpu.vector_store %arg7[%swap3A_1197], %add3A_1196 {strides = array<i32>} : memref<128xi32, #tpu.memory_space<vmem>>, vector<16xi32>,
        %mul3A_1199 = arith.constant 2 : i32
        %mul3A_1200 = arith.muli %mul3A_1199, %and3A_1006 : i32
        %mul3A_1201 = arith.constant 8 : i32
        %mul3A_1202 = arith.muli %mul3A_1200, %mul3A_1201 : i32
        %mul3A_1203 = arith.constant 7813 : i32
        %mul3A_1204 = arith.muli %mul3A_1202, %mul3A_1203 : i32
        %add3A_1205 = arith.constant 7 : i32
        %add3A_1206 = arith.addi %mul3A_1204, %add3A_1205 : i32
        %add3A_1207 = vector.broadcast %add3A_1206 : i32 to vector<16xi32>
        %add3A_1208 = arith.addi %shift_left3A_1016, %add3A_1207 : vector<16xi32>
        %swap3A_1209 = arith.constant 112 : index
        %swap3A_1210 = tpu.vector_load %arg6[%swap3A_1209] {strides = array<i32>} : memref<128xi32, #tpu.memory_space<vmem>>, vector<16xi32>,
        tpu.vector_store %arg6[%swap3A_1209], %add3A_1208 {strides = array<i32>} : memref<128xi32, #tpu.memory_space<vmem>>, vector<16xi32>,
        %mul3A_1211 = arith.constant 2 : i32
        %mul3A_1212 = arith.muli %mul3A_1211, %and3A_1006 : i32
        %add3A_1213 = arith.constant 1 : i32
        %add3A_1214 = arith.addi %mul3A_1212, %add3A_1213 : i32
        %mul3A_1215 = arith.constant 8 : i32
        %mul3A_1216 = arith.muli %add3A_1214, %mul3A_1215 : i32
        %mul3A_1217 = arith.constant 7813 : i32
        %mul3A_1218 = arith.muli %mul3A_1216, %mul3A_1217 : i32
        %add3A_1219 = arith.constant 7 : i32
        %add3A_1220 = arith.addi %mul3A_1218, %add3A_1219 : i32
        %add3A_1221 = vector.broadcast %add3A_1220 : i32 to vector<16xi32>
        %add3A_1222 = arith.addi %shift_left3A_1016, %add3A_1221 : vector<16xi32>
        %swap3A_1223 = arith.constant 112 : index
        %swap3A_1224 = tpu.vector_load %arg7[%swap3A_1223] {strides = array<i32>} : memref<128xi32, #tpu.memory_space<vmem>>, vector<16xi32>,
        tpu.vector_store %arg7[%swap3A_1223], %add3A_1222 {strides = array<i32>} : memref<128xi32, #tpu.memory_space<vmem>>, vector<16xi32>,
        %dma_start3A_1225 = arith.constant 0 : i32
        %dma_start3A_1226 = arith.constant 0 : i32
        %dma_start3A_1227 = tpu.memref_slice %arg10[%dma_start3A_1225, %dma_start3A_1226] : memref<256x128xf32, #tpu.memory_space<vmem>> -> memref<128x128xf32, #tpu.memory_space<vmem>>
        %dma_start3A_1228 = arith.constant 0 : i32
        %dma_start3A_1229 = arith.constant 0 : i32
        %dma_start3A_1230 = tpu.memref_slice %arg3[%dma_start3A_1228, %dma_start3A_1229] : memref<250016x128xf32, #tpu.memory_space<hbm>> -> memref<250016x128xf32, #tpu.memory_space<hbm>>
        tpu.enqueue_indirect_dma source(%dma_start3A_1230 : memref<250016x128xf32, #tpu.memory_space<hbm>>) target(%dma_start3A_1227 : memref<128x128xf32, #tpu.memory_space<vmem>>) offsets(%arg6 : memref<128xi32, #tpu.memory_space<vmem>>) semaphore(%arg13 : memref<!tpu.dma_semaphore, #tpu.memory_space<semaphore_mem>>)
        %dma_start3A_1231 = arith.constant 128 : i32
        %dma_start3A_1232 = arith.constant 0 : i32
        %dma_start3A_1233 = tpu.memref_slice %arg10[%dma_start3A_1231, %dma_start3A_1232] : memref<256x128xf32, #tpu.memory_space<vmem>> -> memref<128x128xf32, #tpu.memory_space<vmem>>
        %dma_start3A_1234 = arith.constant 0 : i32
        %dma_start3A_1235 = arith.constant 0 : i32
        %dma_start3A_1236 = tpu.memref_slice %arg3[%dma_start3A_1234, %dma_start3A_1235] : memref<250016x128xf32, #tpu.memory_space<hbm>> -> memref<250016x128xf32, #tpu.memory_space<hbm>>
        tpu.enqueue_indirect_dma source(%dma_start3A_1236 : memref<250016x128xf32, #tpu.memory_space<hbm>>) target(%dma_start3A_1233 : memref<128x128xf32, #tpu.memory_space<vmem>>) offsets(%arg7 : memref<128xi32, #tpu.memory_space<vmem>>) semaphore(%arg13 : memref<!tpu.dma_semaphore, #tpu.memory_space<semaphore_mem>>)
      } else {
      }
      %add3A_735 = arith.constant 1 : i32
      %add3A_736 = arith.addi %mul3A_476, %add3A_735 : i32
      %dma_wait3A_737 = arith.constant 0 : i32
      %dma_wait3A_738 = arith.constant 0 : i32
      %dma_wait3A_739 = tpu.memref_slice %arg3[%dma_wait3A_737, %dma_wait3A_738] : memref<250016x128xf32, #tpu.memory_space<hbm>> -> memref<256x128xf32, #tpu.memory_space<hbm>>
      %dma_wait3A_740 = arith.constant 0 : i32
      %dma_wait3A_741 = arith.constant 0 : i32
      %dma_wait3A_742 = tpu.memref_slice %arg3[%dma_wait3A_740, %dma_wait3A_741] : memref<250016x128xf32, #tpu.memory_space<hbm>> -> memref<256x128xf32, #tpu.memory_space<hbm>>
      tpu.wait_dma2 semaphore(%arg14 : memref<!tpu.dma_semaphore, #tpu.memory_space<semaphore_mem>>) src(%dma_wait3A_742 : memref<256x128xf32, #tpu.memory_space<hbm>>) dst(%arg11 : memref<256x128xf32, #tpu.memory_space<vmem>>)
      %shift_right_arithmetic3A_743 = arith.constant 1 : i32
      %shift_right_arithmetic3A_744 = arith.shrsi %add3A_736, %shift_right_arithmetic3A_743 : i32
      %and3A_745 = arith.constant 1 : i32
      %and3A_746 = arith.andi %add3A_736, %and3A_745 : i32
      %mul3A_747 = arith.constant 16 : i32
      %mul3A_748 = arith.muli %shift_right_arithmetic3A_744, %mul3A_747 : i32
      %get3A_749 = arith.index_cast %mul3A_748 : i32 to index
      %get3A_750 = tpu.vector_load %arg5[%get3A_749] {strides = array<i32>} : memref<512xi32, #tpu.memory_space<vmem>>, vector<16xi32>,
      %and3A_751 = arith.constant 127 : i32
      %and3A_752 = vector.broadcast %and3A_751 : i32 to vector<16xi32>
      %and3A_753 = arith.andi %get3A_750, %and3A_752 : vector<16xi32>
      %iota3A_754 = tpu.iota {dimensions = array<i32: 0>} : vector<16xi32>
      %add3A_755 = arith.constant 0 : i32
      %add3A_756 = vector.broadcast %add3A_755 : i32 to vector<16xi32>
      %add3A_757 = arith.addi %add3A_756, %iota3A_754 : vector<16xi32>
      %gather3A_758 = tpu.vector_load_idx %arg11[%add3A_757, %and3A_753] : memref<256x128xf32, #tpu.memory_space<vmem>>[vector<16xi32>, vector<16xi32>], vector<16xf32>,
      %mul3A_759 = arith.constant 16 : i32
      %mul3A_760 = arith.muli %mul3A_759, %and3A_746 : i32
      %add3A_761 = arith.constant 0 : i32
      %add3A_762 = arith.addi %mul3A_760, %add3A_761 : i32
      %mul3A_763 = arith.constant 16 : i32
      %mul3A_764 = arith.muli %shift_right_arithmetic3A_744, %mul3A_763 : i32
      %multiple_of3A_765 = tpu.assume_multiple %mul3A_764, 16 : i32
      %swap3A_766 = arith.index_cast %add3A_762 : i32 to index
      %swap3A_767 = arith.index_cast %multiple_of3A_765 : i32 to index
      %swap3A_768 = tpu.vector_load %arg12[%swap3A_766, %swap3A_767] {strides = array<i32>} : memref<32x512xf32, #tpu.memory_space<vmem>>, vector<16xf32>,
      tpu.vector_store %arg12[%swap3A_766, %swap3A_767], %gather3A_758 {strides = array<i32>} : memref<32x512xf32, #tpu.memory_space<vmem>>, vector<16xf32>,
      %iota3A_769 = tpu.iota {dimensions = array<i32: 0>} : vector<16xi32>
      %add3A_770 = arith.constant 16 : i32
      %add3A_771 = vector.broadcast %add3A_770 : i32 to vector<16xi32>
      %add3A_772 = arith.addi %add3A_771, %iota3A_769 : vector<16xi32>
      %gather3A_773 = tpu.vector_load_idx %arg11[%add3A_772, %and3A_753] : memref<256x128xf32, #tpu.memory_space<vmem>>[vector<16xi32>, vector<16xi32>], vector<16xf32>,
      %mul3A_774 = arith.constant 16 : i32
      %mul3A_775 = arith.muli %mul3A_774, %and3A_746 : i32
      %add3A_776 = arith.constant 1 : i32
      %add3A_777 = arith.addi %mul3A_775, %add3A_776 : i32
      %mul3A_778 = arith.constant 16 : i32
      %mul3A_779 = arith.muli %shift_right_arithmetic3A_744, %mul3A_778 : i32
      %multiple_of3A_780 = tpu.assume_multiple %mul3A_779, 16 : i32
      %swap3A_781 = arith.index_cast %add3A_777 : i32 to index
      %swap3A_782 = arith.index_cast %multiple_of3A_780 : i32 to index
      %swap3A_783 = tpu.vector_load %arg12[%swap3A_781, %swap3A_782] {strides = array<i32>} : memref<32x512xf32, #tpu.memory_space<vmem>>, vector<16xf32>,
      tpu.vector_store %arg12[%swap3A_781, %swap3A_782], %gather3A_773 {strides = array<i32>} : memref<32x512xf32, #tpu.memory_space<vmem>>, vector<16xf32>,
      %iota3A_784 = tpu.iota {dimensions = array<i32: 0>} : vector<16xi32>
      %add3A_785 = arith.constant 32 : i32
      %add3A_786 = vector.broadcast %add3A_785 : i32 to vector<16xi32>
      %add3A_787 = arith.addi %add3A_786, %iota3A_784 : vector<16xi32>
      %gather3A_788 = tpu.vector_load_idx %arg11[%add3A_787, %and3A_753] : memref<256x128xf32, #tpu.memory_space<vmem>>[vector<16xi32>, vector<16xi32>], vector<16xf32>,
      %mul3A_789 = arith.constant 16 : i32
      %mul3A_790 = arith.muli %mul3A_789, %and3A_746 : i32
      %add3A_791 = arith.constant 2 : i32
      %add3A_792 = arith.addi %mul3A_790, %add3A_791 : i32
      %mul3A_793 = arith.constant 16 : i32
      %mul3A_794 = arith.muli %shift_right_arithmetic3A_744, %mul3A_793 : i32
      %multiple_of3A_795 = tpu.assume_multiple %mul3A_794, 16 : i32
      %swap3A_796 = arith.index_cast %add3A_792 : i32 to index
      %swap3A_797 = arith.index_cast %multiple_of3A_795 : i32 to index
      %swap3A_798 = tpu.vector_load %arg12[%swap3A_796, %swap3A_797] {strides = array<i32>} : memref<32x512xf32, #tpu.memory_space<vmem>>, vector<16xf32>,
      tpu.vector_store %arg12[%swap3A_796, %swap3A_797], %gather3A_788 {strides = array<i32>} : memref<32x512xf32, #tpu.memory_space<vmem>>, vector<16xf32>,
      %iota3A_799 = tpu.iota {dimensions = array<i32: 0>} : vector<16xi32>
      %add3A_800 = arith.constant 48 : i32
      %add3A_801 = vector.broadcast %add3A_800 : i32 to vector<16xi32>
      %add3A_802 = arith.addi %add3A_801, %iota3A_799 : vector<16xi32>
      %gather3A_803 = tpu.vector_load_idx %arg11[%add3A_802, %and3A_753] : memref<256x128xf32, #tpu.memory_space<vmem>>[vector<16xi32>, vector<16xi32>], vector<16xf32>,
      %mul3A_804 = arith.constant 16 : i32
      %mul3A_805 = arith.muli %mul3A_804, %and3A_746 : i32
      %add3A_806 = arith.constant 3 : i32
      %add3A_807 = arith.addi %mul3A_805, %add3A_806 : i32
      %mul3A_808 = arith.constant 16 : i32
      %mul3A_809 = arith.muli %shift_right_arithmetic3A_744, %mul3A_808 : i32
      %multiple_of3A_810 = tpu.assume_multiple %mul3A_809, 16 : i32
      %swap3A_811 = arith.index_cast %add3A_807 : i32 to index
      %swap3A_812 = arith.index_cast %multiple_of3A_810 : i32 to index
      %swap3A_813 = tpu.vector_load %arg12[%swap3A_811, %swap3A_812] {strides = array<i32>} : memref<32x512xf32, #tpu.memory_space<vmem>>, vector<16xf32>,
      tpu.vector_store %arg12[%swap3A_811, %swap3A_812], %gather3A_803 {strides = array<i32>} : memref<32x512xf32, #tpu.memory_space<vmem>>, vector<16xf32>,
      %iota3A_814 = tpu.iota {dimensions = array<i32: 0>} : vector<16xi32>
      %add3A_815 = arith.constant 64 : i32
      %add3A_816 = vector.broadcast %add3A_815 : i32 to vector<16xi32>
      %add3A_817 = arith.addi %add3A_816, %iota3A_814 : vector<16xi32>
      %gather3A_818 = tpu.vector_load_idx %arg11[%add3A_817, %and3A_753] : memref<256x128xf32, #tpu.memory_space<vmem>>[vector<16xi32>, vector<16xi32>], vector<16xf32>,
      %mul3A_819 = arith.constant 16 : i32
      %mul3A_820 = arith.muli %mul3A_819, %and3A_746 : i32
      %add3A_821 = arith.constant 4 : i32
      %add3A_822 = arith.addi %mul3A_820, %add3A_821 : i32
      %mul3A_823 = arith.constant 16 : i32
      %mul3A_824 = arith.muli %shift_right_arithmetic3A_744, %mul3A_823 : i32
      %multiple_of3A_825 = tpu.assume_multiple %mul3A_824, 16 : i32
      %swap3A_826 = arith.index_cast %add3A_822 : i32 to index
      %swap3A_827 = arith.index_cast %multiple_of3A_825 : i32 to index
      %swap3A_828 = tpu.vector_load %arg12[%swap3A_826, %swap3A_827] {strides = array<i32>} : memref<32x512xf32, #tpu.memory_space<vmem>>, vector<16xf32>,
      tpu.vector_store %arg12[%swap3A_826, %swap3A_827], %gather3A_818 {strides = array<i32>} : memref<32x512xf32, #tpu.memory_space<vmem>>, vector<16xf32>,
      %iota3A_829 = tpu.iota {dimensions = array<i32: 0>} : vector<16xi32>
      %add3A_830 = arith.constant 80 : i32
      %add3A_831 = vector.broadcast %add3A_830 : i32 to vector<16xi32>
      %add3A_832 = arith.addi %add3A_831, %iota3A_829 : vector<16xi32>
      %gather3A_833 = tpu.vector_load_idx %arg11[%add3A_832, %and3A_753] : memref<256x128xf32, #tpu.memory_space<vmem>>[vector<16xi32>, vector<16xi32>], vector<16xf32>,
      %mul3A_834 = arith.constant 16 : i32
      %mul3A_835 = arith.muli %mul3A_834, %and3A_746 : i32
      %add3A_836 = arith.constant 5 : i32
      %add3A_837 = arith.addi %mul3A_835, %add3A_836 : i32
      %mul3A_838 = arith.constant 16 : i32
      %mul3A_839 = arith.muli %shift_right_arithmetic3A_744, %mul3A_838 : i32
      %multiple_of3A_840 = tpu.assume_multiple %mul3A_839, 16 : i32
      %swap3A_841 = arith.index_cast %add3A_837 : i32 to index
      %swap3A_842 = arith.index_cast %multiple_of3A_840 : i32 to index
      %swap3A_843 = tpu.vector_load %arg12[%swap3A_841, %swap3A_842] {strides = array<i32>} : memref<32x512xf32, #tpu.memory_space<vmem>>, vector<16xf32>,
      tpu.vector_store %arg12[%swap3A_841, %swap3A_842], %gather3A_833 {strides = array<i32>} : memref<32x512xf32, #tpu.memory_space<vmem>>, vector<16xf32>,
      %iota3A_844 = tpu.iota {dimensions = array<i32: 0>} : vector<16xi32>
      %add3A_845 = arith.constant 96 : i32
      %add3A_846 = vector.broadcast %add3A_845 : i32 to vector<16xi32>
      %add3A_847 = arith.addi %add3A_846, %iota3A_844 : vector<16xi32>
      %gather3A_848 = tpu.vector_load_idx %arg11[%add3A_847, %and3A_753] : memref<256x128xf32, #tpu.memory_space<vmem>>[vector<16xi32>, vector<16xi32>], vector<16xf32>,
      %mul3A_849 = arith.constant 16 : i32
      %mul3A_850 = arith.muli %mul3A_849, %and3A_746 : i32
      %add3A_851 = arith.constant 6 : i32
      %add3A_852 = arith.addi %mul3A_850, %add3A_851 : i32
      %mul3A_853 = arith.constant 16 : i32
      %mul3A_854 = arith.muli %shift_right_arithmetic3A_744, %mul3A_853 : i32
      %multiple_of3A_855 = tpu.assume_multiple %mul3A_854, 16 : i32
      %swap3A_856 = arith.index_cast %add3A_852 : i32 to index
      %swap3A_857 = arith.index_cast %multiple_of3A_855 : i32 to index
      %swap3A_858 = tpu.vector_load %arg12[%swap3A_856, %swap3A_857] {strides = array<i32>} : memref<32x512xf32, #tpu.memory_space<vmem>>, vector<16xf32>,
      tpu.vector_store %arg12[%swap3A_856, %swap3A_857], %gather3A_848 {strides = array<i32>} : memref<32x512xf32, #tpu.memory_space<vmem>>, vector<16xf32>,
      %iota3A_859 = tpu.iota {dimensions = array<i32: 0>} : vector<16xi32>
      %add3A_860 = arith.constant 112 : i32
      %add3A_861 = vector.broadcast %add3A_860 : i32 to vector<16xi32>
      %add3A_862 = arith.addi %add3A_861, %iota3A_859 : vector<16xi32>
      %gather3A_863 = tpu.vector_load_idx %arg11[%add3A_862, %and3A_753] : memref<256x128xf32, #tpu.memory_space<vmem>>[vector<16xi32>, vector<16xi32>], vector<16xf32>,
      %mul3A_864 = arith.constant 16 : i32
      %mul3A_865 = arith.muli %mul3A_864, %and3A_746 : i32
      %add3A_866 = arith.constant 7 : i32
      %add3A_867 = arith.addi %mul3A_865, %add3A_866 : i32
      %mul3A_868 = arith.constant 16 : i32
      %mul3A_869 = arith.muli %shift_right_arithmetic3A_744, %mul3A_868 : i32
      %multiple_of3A_870 = tpu.assume_multiple %mul3A_869, 16 : i32
      %swap3A_871 = arith.index_cast %add3A_867 : i32 to index
      %swap3A_872 = arith.index_cast %multiple_of3A_870 : i32 to index
      %swap3A_873 = tpu.vector_load %arg12[%swap3A_871, %swap3A_872] {strides = array<i32>} : memref<32x512xf32, #tpu.memory_space<vmem>>, vector<16xf32>,
      tpu.vector_store %arg12[%swap3A_871, %swap3A_872], %gather3A_863 {strides = array<i32>} : memref<32x512xf32, #tpu.memory_space<vmem>>, vector<16xf32>,
      %iota3A_874 = tpu.iota {dimensions = array<i32: 0>} : vector<16xi32>
      %add3A_875 = arith.constant 128 : i32
      %add3A_876 = vector.broadcast %add3A_875 : i32 to vector<16xi32>
      %add3A_877 = arith.addi %add3A_876, %iota3A_874 : vector<16xi32>
      %gather3A_878 = tpu.vector_load_idx %arg11[%add3A_877, %and3A_753] : memref<256x128xf32, #tpu.memory_space<vmem>>[vector<16xi32>, vector<16xi32>], vector<16xf32>,
      %mul3A_879 = arith.constant 16 : i32
      %mul3A_880 = arith.muli %mul3A_879, %and3A_746 : i32
      %add3A_881 = arith.constant 8 : i32
      %add3A_882 = arith.addi %mul3A_880, %add3A_881 : i32
      %mul3A_883 = arith.constant 16 : i32
      %mul3A_884 = arith.muli %shift_right_arithmetic3A_744, %mul3A_883 : i32
      %multiple_of3A_885 = tpu.assume_multiple %mul3A_884, 16 : i32
      %swap3A_886 = arith.index_cast %add3A_882 : i32 to index
      %swap3A_887 = arith.index_cast %multiple_of3A_885 : i32 to index
      %swap3A_888 = tpu.vector_load %arg12[%swap3A_886, %swap3A_887] {strides = array<i32>} : memref<32x512xf32, #tpu.memory_space<vmem>>, vector<16xf32>,
      tpu.vector_store %arg12[%swap3A_886, %swap3A_887], %gather3A_878 {strides = array<i32>} : memref<32x512xf32, #tpu.memory_space<vmem>>, vector<16xf32>,
      %iota3A_889 = tpu.iota {dimensions = array<i32: 0>} : vector<16xi32>
      %add3A_890 = arith.constant 144 : i32
      %add3A_891 = vector.broadcast %add3A_890 : i32 to vector<16xi32>
      %add3A_892 = arith.addi %add3A_891, %iota3A_889 : vector<16xi32>
      %gather3A_893 = tpu.vector_load_idx %arg11[%add3A_892, %and3A_753] : memref<256x128xf32, #tpu.memory_space<vmem>>[vector<16xi32>, vector<16xi32>], vector<16xf32>,
      %mul3A_894 = arith.constant 16 : i32
      %mul3A_895 = arith.muli %mul3A_894, %and3A_746 : i32
      %add3A_896 = arith.constant 9 : i32
      %add3A_897 = arith.addi %mul3A_895, %add3A_896 : i32
      %mul3A_898 = arith.constant 16 : i32
      %mul3A_899 = arith.muli %shift_right_arithmetic3A_744, %mul3A_898 : i32
      %multiple_of3A_900 = tpu.assume_multiple %mul3A_899, 16 : i32
      %swap3A_901 = arith.index_cast %add3A_897 : i32 to index
      %swap3A_902 = arith.index_cast %multiple_of3A_900 : i32 to index
      %swap3A_903 = tpu.vector_load %arg12[%swap3A_901, %swap3A_902] {strides = array<i32>} : memref<32x512xf32, #tpu.memory_space<vmem>>, vector<16xf32>,
      tpu.vector_store %arg12[%swap3A_901, %swap3A_902], %gather3A_893 {strides = array<i32>} : memref<32x512xf32, #tpu.memory_space<vmem>>, vector<16xf32>,
      %iota3A_904 = tpu.iota {dimensions = array<i32: 0>} : vector<16xi32>
      %add3A_905 = arith.constant 160 : i32
      %add3A_906 = vector.broadcast %add3A_905 : i32 to vector<16xi32>
      %add3A_907 = arith.addi %add3A_906, %iota3A_904 : vector<16xi32>
      %gather3A_908 = tpu.vector_load_idx %arg11[%add3A_907, %and3A_753] : memref<256x128xf32, #tpu.memory_space<vmem>>[vector<16xi32>, vector<16xi32>], vector<16xf32>,
      %mul3A_909 = arith.constant 16 : i32
      %mul3A_910 = arith.muli %mul3A_909, %and3A_746 : i32
      %add3A_911 = arith.constant 10 : i32
      %add3A_912 = arith.addi %mul3A_910, %add3A_911 : i32
      %mul3A_913 = arith.constant 16 : i32
      %mul3A_914 = arith.muli %shift_right_arithmetic3A_744, %mul3A_913 : i32
      %multiple_of3A_915 = tpu.assume_multiple %mul3A_914, 16 : i32
      %swap3A_916 = arith.index_cast %add3A_912 : i32 to index
      %swap3A_917 = arith.index_cast %multiple_of3A_915 : i32 to index
      %swap3A_918 = tpu.vector_load %arg12[%swap3A_916, %swap3A_917] {strides = array<i32>} : memref<32x512xf32, #tpu.memory_space<vmem>>, vector<16xf32>,
      tpu.vector_store %arg12[%swap3A_916, %swap3A_917], %gather3A_908 {strides = array<i32>} : memref<32x512xf32, #tpu.memory_space<vmem>>, vector<16xf32>,
      %iota3A_919 = tpu.iota {dimensions = array<i32: 0>} : vector<16xi32>
      %add3A_920 = arith.constant 176 : i32
      %add3A_921 = vector.broadcast %add3A_920 : i32 to vector<16xi32>
      %add3A_922 = arith.addi %add3A_921, %iota3A_919 : vector<16xi32>
      %gather3A_923 = tpu.vector_load_idx %arg11[%add3A_922, %and3A_753] : memref<256x128xf32, #tpu.memory_space<vmem>>[vector<16xi32>, vector<16xi32>], vector<16xf32>,
      %mul3A_924 = arith.constant 16 : i32
      %mul3A_925 = arith.muli %mul3A_924, %and3A_746 : i32
      %add3A_926 = arith.constant 11 : i32
      %add3A_927 = arith.addi %mul3A_925, %add3A_926 : i32
      %mul3A_928 = arith.constant 16 : i32
      %mul3A_929 = arith.muli %shift_right_arithmetic3A_744, %mul3A_928 : i32
      %multiple_of3A_930 = tpu.assume_multiple %mul3A_929, 16 : i32
      %swap3A_931 = arith.index_cast %add3A_927 : i32 to index
      %swap3A_932 = arith.index_cast %multiple_of3A_930 : i32 to index
      %swap3A_933 = tpu.vector_load %arg12[%swap3A_931, %swap3A_932] {strides = array<i32>} : memref<32x512xf32, #tpu.memory_space<vmem>>, vector<16xf32>,
      tpu.vector_store %arg12[%swap3A_931, %swap3A_932], %gather3A_923 {strides = array<i32>} : memref<32x512xf32, #tpu.memory_space<vmem>>, vector<16xf32>,
      %iota3A_934 = tpu.iota {dimensions = array<i32: 0>} : vector<16xi32>
      %add3A_935 = arith.constant 192 : i32
      %add3A_936 = vector.broadcast %add3A_935 : i32 to vector<16xi32>
      %add3A_937 = arith.addi %add3A_936, %iota3A_934 : vector<16xi32>
      %gather3A_938 = tpu.vector_load_idx %arg11[%add3A_937, %and3A_753] : memref<256x128xf32, #tpu.memory_space<vmem>>[vector<16xi32>, vector<16xi32>], vector<16xf32>,
      %mul3A_939 = arith.constant 16 : i32
      %mul3A_940 = arith.muli %mul3A_939, %and3A_746 : i32
      %add3A_941 = arith.constant 12 : i32
      %add3A_942 = arith.addi %mul3A_940, %add3A_941 : i32
      %mul3A_943 = arith.constant 16 : i32
      %mul3A_944 = arith.muli %shift_right_arithmetic3A_744, %mul3A_943 : i32
      %multiple_of3A_945 = tpu.assume_multiple %mul3A_944, 16 : i32
      %swap3A_946 = arith.index_cast %add3A_942 : i32 to index
      %swap3A_947 = arith.index_cast %multiple_of3A_945 : i32 to index
      %swap3A_948 = tpu.vector_load %arg12[%swap3A_946, %swap3A_947] {strides = array<i32>} : memref<32x512xf32, #tpu.memory_space<vmem>>, vector<16xf32>,
      tpu.vector_store %arg12[%swap3A_946, %swap3A_947], %gather3A_938 {strides = array<i32>} : memref<32x512xf32, #tpu.memory_space<vmem>>, vector<16xf32>,
      %iota3A_949 = tpu.iota {dimensions = array<i32: 0>} : vector<16xi32>
      %add3A_950 = arith.constant 208 : i32
      %add3A_951 = vector.broadcast %add3A_950 : i32 to vector<16xi32>
      %add3A_952 = arith.addi %add3A_951, %iota3A_949 : vector<16xi32>
      %gather3A_953 = tpu.vector_load_idx %arg11[%add3A_952, %and3A_753] : memref<256x128xf32, #tpu.memory_space<vmem>>[vector<16xi32>, vector<16xi32>], vector<16xf32>,
      %mul3A_954 = arith.constant 16 : i32
      %mul3A_955 = arith.muli %mul3A_954, %and3A_746 : i32
      %add3A_956 = arith.constant 13 : i32
      %add3A_957 = arith.addi %mul3A_955, %add3A_956 : i32
      %mul3A_958 = arith.constant 16 : i32
      %mul3A_959 = arith.muli %shift_right_arithmetic3A_744, %mul3A_958 : i32
      %multiple_of3A_960 = tpu.assume_multiple %mul3A_959, 16 : i32
      %swap3A_961 = arith.index_cast %add3A_957 : i32 to index
      %swap3A_962 = arith.index_cast %multiple_of3A_960 : i32 to index
      %swap3A_963 = tpu.vector_load %arg12[%swap3A_961, %swap3A_962] {strides = array<i32>} : memref<32x512xf32, #tpu.memory_space<vmem>>, vector<16xf32>,
      tpu.vector_store %arg12[%swap3A_961, %swap3A_962], %gather3A_953 {strides = array<i32>} : memref<32x512xf32, #tpu.memory_space<vmem>>, vector<16xf32>,
      %iota3A_964 = tpu.iota {dimensions = array<i32: 0>} : vector<16xi32>
      %add3A_965 = arith.constant 224 : i32
      %add3A_966 = vector.broadcast %add3A_965 : i32 to vector<16xi32>
      %add3A_967 = arith.addi %add3A_966, %iota3A_964 : vector<16xi32>
      %gather3A_968 = tpu.vector_load_idx %arg11[%add3A_967, %and3A_753] : memref<256x128xf32, #tpu.memory_space<vmem>>[vector<16xi32>, vector<16xi32>], vector<16xf32>,
      %mul3A_969 = arith.constant 16 : i32
      %mul3A_970 = arith.muli %mul3A_969, %and3A_746 : i32
      %add3A_971 = arith.constant 14 : i32
      %add3A_972 = arith.addi %mul3A_970, %add3A_971 : i32
      %mul3A_973 = arith.constant 16 : i32
      %mul3A_974 = arith.muli %shift_right_arithmetic3A_744, %mul3A_973 : i32
      %multiple_of3A_975 = tpu.assume_multiple %mul3A_974, 16 : i32
      %swap3A_976 = arith.index_cast %add3A_972 : i32 to index
      %swap3A_977 = arith.index_cast %multiple_of3A_975 : i32 to index
      %swap3A_978 = tpu.vector_load %arg12[%swap3A_976, %swap3A_977] {strides = array<i32>} : memref<32x512xf32, #tpu.memory_space<vmem>>, vector<16xf32>,
      tpu.vector_store %arg12[%swap3A_976, %swap3A_977], %gather3A_968 {strides = array<i32>} : memref<32x512xf32, #tpu.memory_space<vmem>>, vector<16xf32>,
      %iota3A_979 = tpu.iota {dimensions = array<i32: 0>} : vector<16xi32>
      %add3A_980 = arith.constant 240 : i32
      %add3A_981 = vector.broadcast %add3A_980 : i32 to vector<16xi32>
      %add3A_982 = arith.addi %add3A_981, %iota3A_979 : vector<16xi32>
      %gather3A_983 = tpu.vector_load_idx %arg11[%add3A_982, %and3A_753] : memref<256x128xf32, #tpu.memory_space<vmem>>[vector<16xi32>, vector<16xi32>], vector<16xf32>,
      %mul3A_984 = arith.constant 16 : i32
      %mul3A_985 = arith.muli %mul3A_984, %and3A_746 : i32
      %add3A_986 = arith.constant 15 : i32
      %add3A_987 = arith.addi %mul3A_985, %add3A_986 : i32
      %mul3A_988 = arith.constant 16 : i32
      %mul3A_989 = arith.muli %shift_right_arithmetic3A_744, %mul3A_988 : i32
      %multiple_of3A_990 = tpu.assume_multiple %mul3A_989, 16 : i32
      %swap3A_991 = arith.index_cast %add3A_987 : i32 to index
      %swap3A_992 = arith.index_cast %multiple_of3A_990 : i32 to index
      %swap3A_993 = tpu.vector_load %arg12[%swap3A_991, %swap3A_992] {strides = array<i32>} : memref<32x512xf32, #tpu.memory_space<vmem>>, vector<16xf32>,
      tpu.vector_store %arg12[%swap3A_991, %swap3A_992], %gather3A_983 {strides = array<i32>} : memref<32x512xf32, #tpu.memory_space<vmem>>, vector<16xf32>,
      %add3A_994 = arith.constant 3 : i32
      %add3A_995 = arith.addi %mul3A_476, %add3A_994 : i32
      %lt3A_996 = arith.constant 64 : i32
      %lt3A_997 = arith.cmpi slt, %add3A_995, %lt3A_996 : i32
      %convert_element_type3A_998 = arith.extui %lt3A_997 : i1 to i32
      %cond3A_999 = arith.constant 0 : i32
      %cond3A_1000 = arith.cmpi ne, %convert_element_type3A_998, %cond3A_999 : i32
      scf.if %cond3A_1000 {
        %add3A_1001 = arith.constant 3 : i32
        %add3A_1002 = arith.addi %mul3A_476, %add3A_1001 : i32
        %shift_right_arithmetic3A_1003 = arith.constant 1 : i32
        %shift_right_arithmetic3A_1004 = arith.shrsi %add3A_1002, %shift_right_arithmetic3A_1003 : i32
        %and3A_1005 = arith.constant 1 : i32
        %and3A_1006 = arith.andi %add3A_1002, %and3A_1005 : i32
        %mul3A_1007 = arith.constant 16 : i32
        %mul3A_1008 = arith.muli %shift_right_arithmetic3A_1004, %mul3A_1007 : i32
        %get3A_1009 = arith.index_cast %mul3A_1008 : i32 to index
        %get3A_1010 = tpu.vector_load %arg5[%get3A_1009] {strides = array<i32>} : memref<512xi32, #tpu.memory_space<vmem>>, vector<16xi32>,
        %shift_right_arithmetic3A_1011 = arith.constant 7 : i32
        %shift_right_arithmetic3A_1012 = vector.broadcast %shift_right_arithmetic3A_1011 : i32 to vector<16xi32>
        %shift_right_arithmetic3A_1013 = arith.shrsi %get3A_1010, %shift_right_arithmetic3A_1012 : vector<16xi32>
        %shift_left3A_1014 = arith.constant 3 : i32
        %shift_left3A_1015 = vector.broadcast %shift_left3A_1014 : i32 to vector<16xi32>
        %shift_left3A_1016 = arith.shli %shift_right_arithmetic3A_1013, %shift_left3A_1015 : vector<16xi32>
        %mul3A_1017 = arith.constant 2 : i32
        %mul3A_1018 = arith.muli %mul3A_1017, %and3A_1006 : i32
        %mul3A_1019 = arith.constant 8 : i32
        %mul3A_1020 = arith.muli %mul3A_1018, %mul3A_1019 : i32
        %mul3A_1021 = arith.constant 7813 : i32
        %mul3A_1022 = arith.muli %mul3A_1020, %mul3A_1021 : i32
        %add3A_1023 = arith.constant 0 : i32
        %add3A_1024 = arith.addi %mul3A_1022, %add3A_1023 : i32
        %add3A_1025 = vector.broadcast %add3A_1024 : i32 to vector<16xi32>
        %add3A_1026 = arith.addi %shift_left3A_1016, %add3A_1025 : vector<16xi32>
        %swap3A_1027 = arith.constant 0 : index
        %swap3A_1028 = tpu.vector_load %arg8[%swap3A_1027] {strides = array<i32>} : memref<128xi32, #tpu.memory_space<vmem>>, vector<16xi32>,
        tpu.vector_store %arg8[%swap3A_1027], %add3A_1026 {strides = array<i32>} : memref<128xi32, #tpu.memory_space<vmem>>, vector<16xi32>,
        %mul3A_1029 = arith.constant 2 : i32
        %mul3A_1030 = arith.muli %mul3A_1029, %and3A_1006 : i32
        %add3A_1031 = arith.constant 1 : i32
        %add3A_1032 = arith.addi %mul3A_1030, %add3A_1031 : i32
        %mul3A_1033 = arith.constant 8 : i32
        %mul3A_1034 = arith.muli %add3A_1032, %mul3A_1033 : i32
        %mul3A_1035 = arith.constant 7813 : i32
        %mul3A_1036 = arith.muli %mul3A_1034, %mul3A_1035 : i32
        %add3A_1037 = arith.constant 0 : i32
        %add3A_1038 = arith.addi %mul3A_1036, %add3A_1037 : i32
        %add3A_1039 = vector.broadcast %add3A_1038 : i32 to vector<16xi32>
        %add3A_1040 = arith.addi %shift_left3A_1016, %add3A_1039 : vector<16xi32>
        %swap3A_1041 = arith.constant 0 : index
        %swap3A_1042 = tpu.vector_load %arg9[%swap3A_1041] {strides = array<i32>} : memref<128xi32, #tpu.memory_space<vmem>>, vector<16xi32>,
        tpu.vector_store %arg9[%swap3A_1041], %add3A_1040 {strides = array<i32>} : memref<128xi32, #tpu.memory_space<vmem>>, vector<16xi32>,
        %mul3A_1043 = arith.constant 2 : i32
        %mul3A_1044 = arith.muli %mul3A_1043, %and3A_1006 : i32
        %mul3A_1045 = arith.constant 8 : i32
        %mul3A_1046 = arith.muli %mul3A_1044, %mul3A_1045 : i32
        %mul3A_1047 = arith.constant 7813 : i32
        %mul3A_1048 = arith.muli %mul3A_1046, %mul3A_1047 : i32
        %add3A_1049 = arith.constant 1 : i32
        %add3A_1050 = arith.addi %mul3A_1048, %add3A_1049 : i32
        %add3A_1051 = vector.broadcast %add3A_1050 : i32 to vector<16xi32>
        %add3A_1052 = arith.addi %shift_left3A_1016, %add3A_1051 : vector<16xi32>
        %swap3A_1053 = arith.constant 16 : index
        %swap3A_1054 = tpu.vector_load %arg8[%swap3A_1053] {strides = array<i32>} : memref<128xi32, #tpu.memory_space<vmem>>, vector<16xi32>,
        tpu.vector_store %arg8[%swap3A_1053], %add3A_1052 {strides = array<i32>} : memref<128xi32, #tpu.memory_space<vmem>>, vector<16xi32>,
        %mul3A_1055 = arith.constant 2 : i32
        %mul3A_1056 = arith.muli %mul3A_1055, %and3A_1006 : i32
        %add3A_1057 = arith.constant 1 : i32
        %add3A_1058 = arith.addi %mul3A_1056, %add3A_1057 : i32
        %mul3A_1059 = arith.constant 8 : i32
        %mul3A_1060 = arith.muli %add3A_1058, %mul3A_1059 : i32
        %mul3A_1061 = arith.constant 7813 : i32
        %mul3A_1062 = arith.muli %mul3A_1060, %mul3A_1061 : i32
        %add3A_1063 = arith.constant 1 : i32
        %add3A_1064 = arith.addi %mul3A_1062, %add3A_1063 : i32
        %add3A_1065 = vector.broadcast %add3A_1064 : i32 to vector<16xi32>
        %add3A_1066 = arith.addi %shift_left3A_1016, %add3A_1065 : vector<16xi32>
        %swap3A_1067 = arith.constant 16 : index
        %swap3A_1068 = tpu.vector_load %arg9[%swap3A_1067] {strides = array<i32>} : memref<128xi32, #tpu.memory_space<vmem>>, vector<16xi32>,
        tpu.vector_store %arg9[%swap3A_1067], %add3A_1066 {strides = array<i32>} : memref<128xi32, #tpu.memory_space<vmem>>, vector<16xi32>,
        %mul3A_1069 = arith.constant 2 : i32
        %mul3A_1070 = arith.muli %mul3A_1069, %and3A_1006 : i32
        %mul3A_1071 = arith.constant 8 : i32
        %mul3A_1072 = arith.muli %mul3A_1070, %mul3A_1071 : i32
        %mul3A_1073 = arith.constant 7813 : i32
        %mul3A_1074 = arith.muli %mul3A_1072, %mul3A_1073 : i32
        %add3A_1075 = arith.constant 2 : i32
        %add3A_1076 = arith.addi %mul3A_1074, %add3A_1075 : i32
        %add3A_1077 = vector.broadcast %add3A_1076 : i32 to vector<16xi32>
        %add3A_1078 = arith.addi %shift_left3A_1016, %add3A_1077 : vector<16xi32>
        %swap3A_1079 = arith.constant 32 : index
        %swap3A_1080 = tpu.vector_load %arg8[%swap3A_1079] {strides = array<i32>} : memref<128xi32, #tpu.memory_space<vmem>>, vector<16xi32>,
        tpu.vector_store %arg8[%swap3A_1079], %add3A_1078 {strides = array<i32>} : memref<128xi32, #tpu.memory_space<vmem>>, vector<16xi32>,
        %mul3A_1081 = arith.constant 2 : i32
        %mul3A_1082 = arith.muli %mul3A_1081, %and3A_1006 : i32
        %add3A_1083 = arith.constant 1 : i32
        %add3A_1084 = arith.addi %mul3A_1082, %add3A_1083 : i32
        %mul3A_1085 = arith.constant 8 : i32
        %mul3A_1086 = arith.muli %add3A_1084, %mul3A_1085 : i32
        %mul3A_1087 = arith.constant 7813 : i32
        %mul3A_1088 = arith.muli %mul3A_1086, %mul3A_1087 : i32
        %add3A_1089 = arith.constant 2 : i32
        %add3A_1090 = arith.addi %mul3A_1088, %add3A_1089 : i32
        %add3A_1091 = vector.broadcast %add3A_1090 : i32 to vector<16xi32>
        %add3A_1092 = arith.addi %shift_left3A_1016, %add3A_1091 : vector<16xi32>
        %swap3A_1093 = arith.constant 32 : index
        %swap3A_1094 = tpu.vector_load %arg9[%swap3A_1093] {strides = array<i32>} : memref<128xi32, #tpu.memory_space<vmem>>, vector<16xi32>,
        tpu.vector_store %arg9[%swap3A_1093], %add3A_1092 {strides = array<i32>} : memref<128xi32, #tpu.memory_space<vmem>>, vector<16xi32>,
        %mul3A_1095 = arith.constant 2 : i32
        %mul3A_1096 = arith.muli %mul3A_1095, %and3A_1006 : i32
        %mul3A_1097 = arith.constant 8 : i32
        %mul3A_1098 = arith.muli %mul3A_1096, %mul3A_1097 : i32
        %mul3A_1099 = arith.constant 7813 : i32
        %mul3A_1100 = arith.muli %mul3A_1098, %mul3A_1099 : i32
        %add3A_1101 = arith.constant 3 : i32
        %add3A_1102 = arith.addi %mul3A_1100, %add3A_1101 : i32
        %add3A_1103 = vector.broadcast %add3A_1102 : i32 to vector<16xi32>
        %add3A_1104 = arith.addi %shift_left3A_1016, %add3A_1103 : vector<16xi32>
        %swap3A_1105 = arith.constant 48 : index
        %swap3A_1106 = tpu.vector_load %arg8[%swap3A_1105] {strides = array<i32>} : memref<128xi32, #tpu.memory_space<vmem>>, vector<16xi32>,
        tpu.vector_store %arg8[%swap3A_1105], %add3A_1104 {strides = array<i32>} : memref<128xi32, #tpu.memory_space<vmem>>, vector<16xi32>,
        %mul3A_1107 = arith.constant 2 : i32
        %mul3A_1108 = arith.muli %mul3A_1107, %and3A_1006 : i32
        %add3A_1109 = arith.constant 1 : i32
        %add3A_1110 = arith.addi %mul3A_1108, %add3A_1109 : i32
        %mul3A_1111 = arith.constant 8 : i32
        %mul3A_1112 = arith.muli %add3A_1110, %mul3A_1111 : i32
        %mul3A_1113 = arith.constant 7813 : i32
        %mul3A_1114 = arith.muli %mul3A_1112, %mul3A_1113 : i32
        %add3A_1115 = arith.constant 3 : i32
        %add3A_1116 = arith.addi %mul3A_1114, %add3A_1115 : i32
        %add3A_1117 = vector.broadcast %add3A_1116 : i32 to vector<16xi32>
        %add3A_1118 = arith.addi %shift_left3A_1016, %add3A_1117 : vector<16xi32>
        %swap3A_1119 = arith.constant 48 : index
        %swap3A_1120 = tpu.vector_load %arg9[%swap3A_1119] {strides = array<i32>} : memref<128xi32, #tpu.memory_space<vmem>>, vector<16xi32>,
        tpu.vector_store %arg9[%swap3A_1119], %add3A_1118 {strides = array<i32>} : memref<128xi32, #tpu.memory_space<vmem>>, vector<16xi32>,
        %mul3A_1121 = arith.constant 2 : i32
        %mul3A_1122 = arith.muli %mul3A_1121, %and3A_1006 : i32
        %mul3A_1123 = arith.constant 8 : i32
        %mul3A_1124 = arith.muli %mul3A_1122, %mul3A_1123 : i32
        %mul3A_1125 = arith.constant 7813 : i32
        %mul3A_1126 = arith.muli %mul3A_1124, %mul3A_1125 : i32
        %add3A_1127 = arith.constant 4 : i32
        %add3A_1128 = arith.addi %mul3A_1126, %add3A_1127 : i32
        %add3A_1129 = vector.broadcast %add3A_1128 : i32 to vector<16xi32>
        %add3A_1130 = arith.addi %shift_left3A_1016, %add3A_1129 : vector<16xi32>
        %swap3A_1131 = arith.constant 64 : index
        %swap3A_1132 = tpu.vector_load %arg8[%swap3A_1131] {strides = array<i32>} : memref<128xi32, #tpu.memory_space<vmem>>, vector<16xi32>,
        tpu.vector_store %arg8[%swap3A_1131], %add3A_1130 {strides = array<i32>} : memref<128xi32, #tpu.memory_space<vmem>>, vector<16xi32>,
        %mul3A_1133 = arith.constant 2 : i32
        %mul3A_1134 = arith.muli %mul3A_1133, %and3A_1006 : i32
        %add3A_1135 = arith.constant 1 : i32
        %add3A_1136 = arith.addi %mul3A_1134, %add3A_1135 : i32
        %mul3A_1137 = arith.constant 8 : i32
        %mul3A_1138 = arith.muli %add3A_1136, %mul3A_1137 : i32
        %mul3A_1139 = arith.constant 7813 : i32
        %mul3A_1140 = arith.muli %mul3A_1138, %mul3A_1139 : i32
        %add3A_1141 = arith.constant 4 : i32
        %add3A_1142 = arith.addi %mul3A_1140, %add3A_1141 : i32
        %add3A_1143 = vector.broadcast %add3A_1142 : i32 to vector<16xi32>
        %add3A_1144 = arith.addi %shift_left3A_1016, %add3A_1143 : vector<16xi32>
        %swap3A_1145 = arith.constant 64 : index
        %swap3A_1146 = tpu.vector_load %arg9[%swap3A_1145] {strides = array<i32>} : memref<128xi32, #tpu.memory_space<vmem>>, vector<16xi32>,
        tpu.vector_store %arg9[%swap3A_1145], %add3A_1144 {strides = array<i32>} : memref<128xi32, #tpu.memory_space<vmem>>, vector<16xi32>,
        %mul3A_1147 = arith.constant 2 : i32
        %mul3A_1148 = arith.muli %mul3A_1147, %and3A_1006 : i32
        %mul3A_1149 = arith.constant 8 : i32
        %mul3A_1150 = arith.muli %mul3A_1148, %mul3A_1149 : i32
        %mul3A_1151 = arith.constant 7813 : i32
        %mul3A_1152 = arith.muli %mul3A_1150, %mul3A_1151 : i32
        %add3A_1153 = arith.constant 5 : i32
        %add3A_1154 = arith.addi %mul3A_1152, %add3A_1153 : i32
        %add3A_1155 = vector.broadcast %add3A_1154 : i32 to vector<16xi32>
        %add3A_1156 = arith.addi %shift_left3A_1016, %add3A_1155 : vector<16xi32>
        %swap3A_1157 = arith.constant 80 : index
        %swap3A_1158 = tpu.vector_load %arg8[%swap3A_1157] {strides = array<i32>} : memref<128xi32, #tpu.memory_space<vmem>>, vector<16xi32>,
        tpu.vector_store %arg8[%swap3A_1157], %add3A_1156 {strides = array<i32>} : memref<128xi32, #tpu.memory_space<vmem>>, vector<16xi32>,
        %mul3A_1159 = arith.constant 2 : i32
        %mul3A_1160 = arith.muli %mul3A_1159, %and3A_1006 : i32
        %add3A_1161 = arith.constant 1 : i32
        %add3A_1162 = arith.addi %mul3A_1160, %add3A_1161 : i32
        %mul3A_1163 = arith.constant 8 : i32
        %mul3A_1164 = arith.muli %add3A_1162, %mul3A_1163 : i32
        %mul3A_1165 = arith.constant 7813 : i32
        %mul3A_1166 = arith.muli %mul3A_1164, %mul3A_1165 : i32
        %add3A_1167 = arith.constant 5 : i32
        %add3A_1168 = arith.addi %mul3A_1166, %add3A_1167 : i32
        %add3A_1169 = vector.broadcast %add3A_1168 : i32 to vector<16xi32>
        %add3A_1170 = arith.addi %shift_left3A_1016, %add3A_1169 : vector<16xi32>
        %swap3A_1171 = arith.constant 80 : index
        %swap3A_1172 = tpu.vector_load %arg9[%swap3A_1171] {strides = array<i32>} : memref<128xi32, #tpu.memory_space<vmem>>, vector<16xi32>,
        tpu.vector_store %arg9[%swap3A_1171], %add3A_1170 {strides = array<i32>} : memref<128xi32, #tpu.memory_space<vmem>>, vector<16xi32>,
        %mul3A_1173 = arith.constant 2 : i32
        %mul3A_1174 = arith.muli %mul3A_1173, %and3A_1006 : i32
        %mul3A_1175 = arith.constant 8 : i32
        %mul3A_1176 = arith.muli %mul3A_1174, %mul3A_1175 : i32
        %mul3A_1177 = arith.constant 7813 : i32
        %mul3A_1178 = arith.muli %mul3A_1176, %mul3A_1177 : i32
        %add3A_1179 = arith.constant 6 : i32
        %add3A_1180 = arith.addi %mul3A_1178, %add3A_1179 : i32
        %add3A_1181 = vector.broadcast %add3A_1180 : i32 to vector<16xi32>
        %add3A_1182 = arith.addi %shift_left3A_1016, %add3A_1181 : vector<16xi32>
        %swap3A_1183 = arith.constant 96 : index
        %swap3A_1184 = tpu.vector_load %arg8[%swap3A_1183] {strides = array<i32>} : memref<128xi32, #tpu.memory_space<vmem>>, vector<16xi32>,
        tpu.vector_store %arg8[%swap3A_1183], %add3A_1182 {strides = array<i32>} : memref<128xi32, #tpu.memory_space<vmem>>, vector<16xi32>,
        %mul3A_1185 = arith.constant 2 : i32
        %mul3A_1186 = arith.muli %mul3A_1185, %and3A_1006 : i32
        %add3A_1187 = arith.constant 1 : i32
        %add3A_1188 = arith.addi %mul3A_1186, %add3A_1187 : i32
        %mul3A_1189 = arith.constant 8 : i32
        %mul3A_1190 = arith.muli %add3A_1188, %mul3A_1189 : i32
        %mul3A_1191 = arith.constant 7813 : i32
        %mul3A_1192 = arith.muli %mul3A_1190, %mul3A_1191 : i32
        %add3A_1193 = arith.constant 6 : i32
        %add3A_1194 = arith.addi %mul3A_1192, %add3A_1193 : i32
        %add3A_1195 = vector.broadcast %add3A_1194 : i32 to vector<16xi32>
        %add3A_1196 = arith.addi %shift_left3A_1016, %add3A_1195 : vector<16xi32>
        %swap3A_1197 = arith.constant 96 : index
        %swap3A_1198 = tpu.vector_load %arg9[%swap3A_1197] {strides = array<i32>} : memref<128xi32, #tpu.memory_space<vmem>>, vector<16xi32>,
        tpu.vector_store %arg9[%swap3A_1197], %add3A_1196 {strides = array<i32>} : memref<128xi32, #tpu.memory_space<vmem>>, vector<16xi32>,
        %mul3A_1199 = arith.constant 2 : i32
        %mul3A_1200 = arith.muli %mul3A_1199, %and3A_1006 : i32
        %mul3A_1201 = arith.constant 8 : i32
        %mul3A_1202 = arith.muli %mul3A_1200, %mul3A_1201 : i32
        %mul3A_1203 = arith.constant 7813 : i32
        %mul3A_1204 = arith.muli %mul3A_1202, %mul3A_1203 : i32
        %add3A_1205 = arith.constant 7 : i32
        %add3A_1206 = arith.addi %mul3A_1204, %add3A_1205 : i32
        %add3A_1207 = vector.broadcast %add3A_1206 : i32 to vector<16xi32>
        %add3A_1208 = arith.addi %shift_left3A_1016, %add3A_1207 : vector<16xi32>
        %swap3A_1209 = arith.constant 112 : index
        %swap3A_1210 = tpu.vector_load %arg8[%swap3A_1209] {strides = array<i32>} : memref<128xi32, #tpu.memory_space<vmem>>, vector<16xi32>,
        tpu.vector_store %arg8[%swap3A_1209], %add3A_1208 {strides = array<i32>} : memref<128xi32, #tpu.memory_space<vmem>>, vector<16xi32>,
        %mul3A_1211 = arith.constant 2 : i32
        %mul3A_1212 = arith.muli %mul3A_1211, %and3A_1006 : i32
        %add3A_1213 = arith.constant 1 : i32
        %add3A_1214 = arith.addi %mul3A_1212, %add3A_1213 : i32
        %mul3A_1215 = arith.constant 8 : i32
        %mul3A_1216 = arith.muli %add3A_1214, %mul3A_1215 : i32
        %mul3A_1217 = arith.constant 7813 : i32
        %mul3A_1218 = arith.muli %mul3A_1216, %mul3A_1217 : i32
        %add3A_1219 = arith.constant 7 : i32
        %add3A_1220 = arith.addi %mul3A_1218, %add3A_1219 : i32
        %add3A_1221 = vector.broadcast %add3A_1220 : i32 to vector<16xi32>
        %add3A_1222 = arith.addi %shift_left3A_1016, %add3A_1221 : vector<16xi32>
        %swap3A_1223 = arith.constant 112 : index
        %swap3A_1224 = tpu.vector_load %arg9[%swap3A_1223] {strides = array<i32>} : memref<128xi32, #tpu.memory_space<vmem>>, vector<16xi32>,
        tpu.vector_store %arg9[%swap3A_1223], %add3A_1222 {strides = array<i32>} : memref<128xi32, #tpu.memory_space<vmem>>, vector<16xi32>,
        %dma_start3A_1225 = arith.constant 0 : i32
        %dma_start3A_1226 = arith.constant 0 : i32
        %dma_start3A_1227 = tpu.memref_slice %arg11[%dma_start3A_1225, %dma_start3A_1226] : memref<256x128xf32, #tpu.memory_space<vmem>> -> memref<128x128xf32, #tpu.memory_space<vmem>>
        %dma_start3A_1228 = arith.constant 0 : i32
        %dma_start3A_1229 = arith.constant 0 : i32
        %dma_start3A_1230 = tpu.memref_slice %arg3[%dma_start3A_1228, %dma_start3A_1229] : memref<250016x128xf32, #tpu.memory_space<hbm>> -> memref<250016x128xf32, #tpu.memory_space<hbm>>
        tpu.enqueue_indirect_dma source(%dma_start3A_1230 : memref<250016x128xf32, #tpu.memory_space<hbm>>) target(%dma_start3A_1227 : memref<128x128xf32, #tpu.memory_space<vmem>>) offsets(%arg8 : memref<128xi32, #tpu.memory_space<vmem>>) semaphore(%arg14 : memref<!tpu.dma_semaphore, #tpu.memory_space<semaphore_mem>>)
        %dma_start3A_1231 = arith.constant 128 : i32
        %dma_start3A_1232 = arith.constant 0 : i32
        %dma_start3A_1233 = tpu.memref_slice %arg11[%dma_start3A_1231, %dma_start3A_1232] : memref<256x128xf32, #tpu.memory_space<vmem>> -> memref<128x128xf32, #tpu.memory_space<vmem>>
        %dma_start3A_1234 = arith.constant 0 : i32
        %dma_start3A_1235 = arith.constant 0 : i32
        %dma_start3A_1236 = tpu.memref_slice %arg3[%dma_start3A_1234, %dma_start3A_1235] : memref<250016x128xf32, #tpu.memory_space<hbm>> -> memref<250016x128xf32, #tpu.memory_space<hbm>>
        tpu.enqueue_indirect_dma source(%dma_start3A_1236 : memref<250016x128xf32, #tpu.memory_space<hbm>>) target(%dma_start3A_1233 : memref<128x128xf32, #tpu.memory_space<vmem>>) offsets(%arg9 : memref<128xi32, #tpu.memory_space<vmem>>) semaphore(%arg14 : memref<!tpu.dma_semaphore, #tpu.memory_space<semaphore_mem>>)
      } else {
      }
    }
    %scan3A_473 = arith.constant 32 : i32
    %multiple_of3A = tpu.assume_multiple %mul3A_2, 128 : i32
    "tpu.region"() ({
      %run_scoped3A = tpu.sem_alloc : memref<!tpu.dma_semaphore, #tpu.memory_space<semaphore_mem>>
      %dma_start3A_474 = arith.constant 0 : i32
      %dma_start3A_475 = tpu.memref_slice %arg4[%dma_start3A_474, %multiple_of3A] : memref<32x16384xf32, #tpu.memory_space<hbm>> -> memref<32x512xf32, #tpu.memory_space<hbm>>
      %dma_start3A_476 = arith.constant 0 : i32
      %dma_start3A_477 = tpu.memref_slice %arg4[%dma_start3A_476, %multiple_of3A] : memref<32x16384xf32, #tpu.memory_space<hbm>> -> memref<32x512xf32, #tpu.memory_space<hbm>>
      tpu.enqueue_dma source(%arg12 : memref<32x512xf32, #tpu.memory_space<vmem>>) target(%dma_start3A_477 : memref<32x512xf32, #tpu.memory_space<hbm>>) target_semaphore(%run_scoped3A : memref<!tpu.dma_semaphore, #tpu.memory_space<semaphore_mem>>)
      %dma_wait3A = arith.constant 0 : i32
      %dma_wait3A_478 = tpu.memref_slice %arg4[%dma_wait3A, %multiple_of3A] : memref<32x16384xf32, #tpu.memory_space<hbm>> -> memref<32x512xf32, #tpu.memory_space<hbm>>
      %dma_wait3A_479 = arith.constant 0 : i32
      %dma_wait3A_480 = tpu.memref_slice %arg4[%dma_wait3A_479, %multiple_of3A] : memref<32x16384xf32, #tpu.memory_space<hbm>> -> memref<32x512xf32, #tpu.memory_space<hbm>>
      tpu.wait_dma2 semaphore(%run_scoped3A : memref<!tpu.dma_semaphore, #tpu.memory_space<semaphore_mem>>) src(%arg12 : memref<32x512xf32, #tpu.memory_space<vmem>>) dst(%dma_wait3A_480 : memref<32x512xf32, #tpu.memory_space<hbm>>)
      tpu.yield
    }) : () -> ()
    return
  }
}

</mosaic_0001>

<sc_bundles>
// kernel: kernel.3.cloned.1.call-start
scs
__scs_entry_jumppad:
0x0: {  	(pc) =	sbr.rel $0x88, $3  }
0x1: {  	(tag) =	ssettag $0x0;
	lr =	simm.s32 $0x1  }
0x2: {  	[smem:$0x3F9F] =	sst lr;
	_ =	strace $0xD0000000  }
0x3: {  	_ = 	snop  }
0x4: {  	_ = 	snop  }
0x5: {  	_ = 	snop  }
0x6: {  	_ = 	snop  }
0x7: {  	_ = 	snop  }
__scs_overlays_trampoline_lowered:
0x8: {  	[smem:$0x3FAE] =	sst s0  }
0x9: {  	[smem:$0x3FAF] =	sst s1  }
0xa: {  	[smem:$0x3FB0] =	sst s2  }
0xb: {  	[smem:$0x3FB1] =	sst s3  }
0xc: {  	[smem:$0x3FB2] =	sst s4  }
0xd: {  	[smem:$0x3FB3] =	sst s5  }
0xe: {  	[smem:$0x3FB4] =	sst s6  }
0xf: {  	[smem:$0x3FB5] =	sst s7  }
0x10: {  	[smem:$0x3FB6] =	sst s8  }
0x11: {  	[smem:$0x3FB7] =	sst s9;
	s0 =	simm.s32 @!p0 $0x0  }
0x12: {  	s1 =	sld [smem:$0x3F9D];
	s0 =	simm.s32 @p0 $0x1  }
0x13: {  	[smem:$0x3FB8] =	sst s0;
	s0 =	simm.s32 @!p1 $0x0  }
0x14: {  	s2 =	sld [smem:$0x3F9C];
	s0 =	simm.s32 @p1 $0x1  }
0x15: {  	[smem:$0x3FB9] =	sst s0;
	s0 =	simm.s32 @!p2 $0x0  }
0x16: {  	s3 =	sld [smem:$0x3FDB];
	s0 =	simm.s32 @p2 $0x1  }
0x17: {  	s4 =	simm.s32 $0x1BF5;
	[smem:$0x3FBB] =	sst s0  }
0x18: {  	s0 =	sld [smem:$0x3F9E];
	_ =	swait.ge [sflag:s4], $0x0  }
0x19: {  	s7 =	sld [smem:$0x3F9F]  }
0x1a: {  	s8 =	sadd.s32 $0xFFFFE003, lr  }
0x1b: {  	s9 =	sadd.s32 $0xFFFFFEF7, lr;
	s5 =	simm.s32 $0xFFFFFFFF;
	p2 =	slt.u32 s8, $0xFFFFF086  }
0x1c: {  	p1 =	slt.u32 s9, $0xF7A;
	s5 =	simm.s32 @!p2 $0x0  }
0x1d: {  	s5 =	simm.s32 @p1 $0x1;
	p0 =	seq.s32 s7, s2  }
0x1e: {  	s7 =	smul.u32 @!p0 $0xF7A, s2;
	p2 =	seq.s32 @!p0 s5, $0x0  }
0x1f: {  	s9 =	smul.u32 $0xF7A, s1;
	s8 =	simm.s32 @!p0 $0x1BF5;
	p2 =	por !p2, p0  }
0x20: {  	[sflag:s8] =	ssyncset.s32 @!p0 $0xFFFFF086;
	s6 =	sadd.s32 @!p0 s3, s7;
	s7 =	simm.s32 @!p0 $0x108  }
0x21: {  	s3 =	sadd.s32 s3, s9;
	s6 =	sadd.s32 @!p0 $0x88, s6;
	s7 =	simm.s32 @p2 $0x1082  }
0x22: {  	[simem:s7], [sflag:s8] =	dma.local @!p0 [hbm:s6], $0xF7A  }
0x23: {  	s9 =	sor.u32 $0xD0000000, s2;
	s6 =	simm.s32 $0x108;
	_ =	swait.ge @!p0 [sflag:s8], $0x0  }
0x24: {  	s3 =	sadd.s32 $0x88, s3;
	s6 =	simm.s32 @!p1 $0x1082;
	[sflag:s4] =	ssyncset.s32 $0xFFFFF086  }
0x25: {  	[simem:s6], [sflag:s4] =	dma.local [hbm:s3], $0xF7A  }
0x26: {  	[smem:$0x3F9F] =	sst s1;
	(tag) =	ssettag s2;
	_ =	strace s9  }
0x27: {  	s1 =	sld [smem:$0x3FAF]  }
0x28: {  	s2 =	sld [smem:$0x3FB0]  }
0x29: {  	s4 =	sld [smem:$0x3FB2]  }
0x2a: {  	p0 =	seq.s32 s5, $0x0;
	s5 =	sld [smem:$0x3FB3]  }
0x2b: {  	s6 =	sld [smem:$0x3FB4]  }
0x2c: {  	s7 =	sld [smem:$0x3FB5]  }
0x2d: {  	s3 =	simm.s32 $0x108;
	s8 =	sld [smem:$0x3FB6]  }
0x2e: {  	s3 =	simm.s32 @!p0 $0x1082;
	s9 =	sld [smem:$0x3FB7]  }
0x2f: {  	lr =	sadd.s32 s0, s3;
	s0 =	sld [smem:$0x3FAE]  }
0x30: {  	s3 =	sld [smem:$0x3FB1]  }
0x31: {  	[smem:$0x3FBA] =	sst s10  }
0x32: {  	s10 =	sld [smem:$0x3FB8];
	_ =	sdelay $0x3  }
0x33: {  	p0 =	seq.s32 s10, $0x1;
	s10 =	sld [smem:$0x3FBA];
	_ =	sdelay $0x3  }
0x34: {  	[smem:$0x3FBA] =	sst s10  }
0x35: {  	s10 =	sld [smem:$0x3FB9];
	_ =	sdelay $0x3  }
0x36: {  	p1 =	seq.s32 s10, $0x1;
	s10 =	sld [smem:$0x3FBA];
	_ =	sdelay $0x3  }
0x37: {  	[smem:$0x3FBA] =	sst s10  }
0x38: {  	s10 =	sld [smem:$0x3FBB]  }
0x39: {  	_ = 	snop;
	(pc) =	sbr.ind lr, $3  }
0x3a: {  	_ = 	snop  }
0x3b: {  	_ = 	snop  }
0x3c: {  	p2 =	seq.s32 s10, $0x1;
	s10 =	sld [smem:$0x3FBA]  }
0x3d: {  	_ =	shalt  }
0x3e: {  	_ =	shalt  }
0x3f: {  	_ =	shalt  }
0x40: {  	_ =	shalt  }
0x41: {  	_ =	shalt  }
0x42: {  	_ =	shalt  }
0x43: {  	_ =	shalt  }
0x44: {  	_ =	shalt  }
0x45: {  	_ =	shalt  }
0x46: {  	_ =	shalt  }
0x47: {  	_ =	shalt  }
0x48: {  	_ =	shalt  }
0x49: {  	_ =	shalt  }
0x4a: {  	_ =	shalt  }
0x4b: {  	_ =	shalt  }
0x4c: {  	_ =	shalt  }
0x4d: {  	_ =	shalt  }
0x4e: {  	_ =	shalt  }
0x4f: {  	_ =	shalt  }
0x50: {  	_ =	shalt  }
0x51: {  	_ =	shalt  }
0x52: {  	_ =	shalt  }
0x53: {  	_ =	shalt  }
0x54: {  	_ =	shalt  }
0x55: {  	_ =	shalt  }
0x56: {  	_ =	shalt  }
0x57: {  	_ =	shalt  }
0x58: {  	_ =	shalt  }
0x59: {  	_ =	shalt  }
0x5a: {  	_ =	shalt  }
0x5b: {  	_ =	shalt  }
0x5c: {  	_ =	shalt  }
0x5d: {  	_ =	shalt  }
0x5e: {  	_ =	shalt  }
0x5f: {  	_ =	shalt  }
0x60: {  	_ =	shalt  }
0x61: {  	_ =	shalt  }
0x62: {  	_ =	shalt  }
0x63: {  	_ =	shalt  }
0x64: {  	_ =	shalt  }
0x65: {  	_ =	shalt  }
0x66: {  	_ =	shalt  }
0x67: {  	_ =	shalt  }
0x68: {  	_ =	shalt  }
0x69: {  	_ =	shalt  }
0x6a: {  	_ =	shalt  }
0x6b: {  	_ =	shalt  }
0x6c: {  	_ =	shalt  }
0x6d: {  	_ =	shalt  }
0x6e: {  	_ =	shalt  }
0x6f: {  	_ =	shalt  }
0x70: {  	_ =	shalt  }
0x71: {  	_ =	shalt  }
0x72: {  	_ =	shalt  }
0x73: {  	_ =	shalt  }
0x74: {  	_ =	shalt  }
0x75: {  	_ =	shalt  }
0x76: {  	_ =	shalt  }
0x77: {  	_ =	shalt  }
0x78: {  	_ =	shalt  }
0x79: {  	_ =	shalt  }
0x7a: {  	_ =	shalt  }
0x7b: {  	_ =	shalt  }
0x7c: {  	_ =	shalt  }
0x7d: {  	_ =	shalt  }
0x7e: {  	_ =	shalt  }
0x7f: {  	_ =	shalt  }
0x80: {  	_ =	shalt  }
0x81: {  	_ =	shalt  }
0x82: {  	_ =	shalt  }
0x83: {  	_ =	shalt  }
0x84: {  	_ =	shalt  }
0x85: {  	_ =	shalt  }
0x86: {  	_ =	shalt  }
0x87: {  	_ =	shalt  }
.Lfunc_end0:
.L_simem_size_0:
called_computation_lowered:
.L_overlay_start_0:
0x88: {  	s2 =	sld [smem:$0x3FD9]  }
0x89: {  	s3 =	sld [smem:$0x3FFE];
	_ =	sdelay $0x1  }
0x8a: {  	s1 =	srdreg.scid  }
0x8b: {  	s0 =	sand.u32 $0x1, s1  }
0x8c: {  	s17 =	sshll.u32 s0, $0xA;
	s2 =	sadd.s32 s3, s2  }
0x8d: {  	s2 =	sadd.s32 s2, s17  }
0x8e: {  	[smem:$0x3FC6] =	sst s2  }
0x8f: {  	_ = 	snop  }
0x90: {  	s2 =	sld [smem:$0x3FC9]  }
0x91: {  	s18 =	sld [smem:$0x3FD0];
	(tm) =	ssettm $0x1  }
0x92: {  	s4 =	sld [smem:$0x3FFB];
	_ =	sdelay $0x3  }
0x93: {  	_ =	strace s4  }
0x94: {  	s4 =	sld [smem:$0x3FFC];
	_ =	sdelay $0x3  }
0x95: {  	_ =	strace s4  }
0x96: {  	s4 =	sld [smem:$0x3FFD];
	_ =	sdelay $0x3  }
0x97: {  	_ =	strace s4  }
0x98: {  	_ =	strace $0x8FFFFFFF  }
0x99: {  	s19 =	sld [smem:$0x3FDB];
	_ =	sdelay $0x1  }
0x9a: {  	s5 =	simm.s32 $_scs_section_size  }
0x9b: {  	s6 =	simm.s32 $_size__tile_overlayer_lowered;
	s7 =	simm.s32 $_tile_overlayer_lowered  }
0x9c: {  	s22 =	simm.s32 $0x1BFF;
	s21 =	sshll.u32 s7, $0x1;
	s4 =	sadd.s32 s5, s19  }
0x9d: {  	s8 =	simm.s32 $0x0;
	s20 =	sshll.u32 s6, $0x1;
	s6 =	sadd.s32 s21, s4  }
0x9e: {  	[timem:s8], [sflag:s22] =	dma.local [hbm:s6], s20  }
0x9f: {  	_ =	swait.ge [sflag:s22], s20  }
0xa0: {  	s5 =	ssub.s32 $0x0, s20;
	[sflag:s22] =	ssyncset.done $0x0  }
0xa1: {  	[sflag:s22] =	ssyncadd.s32 s5;
	_ =	sdelay $0x1  }
0xa2: {  	s23 =	simm.s32 $0x1B8B  }
0xa3: {  	_ =	swait.ge [sflag:s23], $0x1  }
0xa4: {  	[sflag:s23] =	ssyncset.done $0x0  }
0xa5: {  	s25 =	simm.s32 $0x1B8E;
	s24 =	sld [smem:$0x3FFE];
	[sflag:s23] =	ssyncadd.s32 $0xFFFFFFFF  }
0xa6: {  	s26 =	simm.s32 $execute0_lowered;
	[smem:$0x3FD2] =	sst s25  }
0xa7: {  	s6 =	sshll.u32 s26, $0x1;
	_ =	strace $0x80000046;
	[dreg:$0x1] =	wrdreg $0xFFFFFFFF  }
0xa8: {  	s28 =	simm.s32 $_size_execute0_lowered;
	s4 =	sadd.s32 s4, s6;
	[dreg:$0x0] =	wrdreg $0x0  }
0xa9: {  	s6 =	sshll.u32 s28, $0x1;
	[dreg:$0x2] =	wrdreg s4  }
0xaa: {  	[dreg:$0x3] =	wrdreg s6  }
0xab: {  	[dreg:$0x4] =	wrdreg $0xC0  }
0xac: {  	_ =	task [dreg:s8], $0x5FFFF  }
0xad: {  	[dreg:$0x1] =	wrdreg $0xFFFFFFFF  }
0xae: {  	[dreg:$0x0] =	wrdreg $0x60  }
0xaf: {  	[dreg:$0x2] =	wrdreg s2  }
0xb0: {  	[dreg:$0x3] =	wrdreg s24  }
0xb1: {  	[dreg:$0x4] =	wrdreg s18  }
0xb2: {  	[dreg:$0x5] =	wrdreg $0x9  }
0xb3: {  	_ =	task.clear_ibuf [dreg:s8], $0x6FFFF;
	_ =	strace $0x90000046  }
0xb4: {  	s29 =	simm.s32 $0x9;
	_ =	strace $0x80000048  }
0xb5: {  	_ =	swait.ge [sflag:s29], $0x1  }
0xb6: {  	[sflag:s29] =	ssyncadd.s32 $0xFFFFFFFF  }
0xb7: {  	_ =	strace $0x90000048  }
0xb8: {  	_ =	sfence  }
0xb9: {  	s30 =	sld [smem:$0x0];
	_ =	sdelay $0x2  }
0xba: {  	s31 =	sshll.u32 s1, $0xD;
	s1 =	sshrl.u32 s1, $0x2  }
0xbb: {  	s3 =	sand.u32 $0x4000, s31;
	s1 =	sadd.s32 s1, s30  }
0xbc: {  	s0 =	sor.u32 s3, s0;
	s1 =	sshll.u32 s1, $0x11  }
0xbd: {  	s0 =	sor.u32 s1, s0  }
0xbe: {  	s0 =	sadd.s32 $0x8F2B, s0  }
0xbf: {  	[sflag:s0] =	ssyncadd.remote.s32 $0x1  }
0xc0: {  	_ =	sfence.sel $0xFFFF  }
0xc1: {  	[dreg:$0x0] =	wrdreg $0xFFFFFFFF;
	(pc) =	sbr.abs _section_cstart, $3  }
0xc2: {  	[dreg:$0x1] =	wrdreg $0xFFFFFFFF  }
0xc3: {  	_ =	task.clear_ibuf [dreg:s8], $0x2FFFF;
	_ =	strace $0x9FFFFFFF  }
0xc4: {  	(tm) =	ssettm $0x7FFFFFFF  }
0xc5: {  	_ =	shalt  }
tec
execute0_lowered:
.L_overlay_start_1:
0x0: {  	(tag) =	ssettag $0x1  }
0x1: {  	s4 =	rddreg [dreg:$0x0]  }
0x2: {  	s3 =	rddreg [dreg:$0x1]  }
0x3: {  	s5 =	rddreg [dreg:$0x2]  }
0x4: {  	s2 =	srdreg.scid;
	s0 =	rddreg [dreg:$0x3]  }
0x5: {  	s1 =	stileid.u32;
	s10 =	simm.s32 $0x400;
	s11 =	simm.s32 $0x280  }
0x6: {  	s12 =	simm.s32 $0x4400;
	s13 =	simm.s32 $0x300;
	s14 =	simm.s32 $0x8400  }
0x7: {  	s15 =	simm.s32 $0x380;
	s16 =	simm.s32 $0xC400;
	s17 =	simm.s32 $0x1  }
0x8: {  	v0 =	vlaneseq.u32;
	s18 =	simm.s32 $0x2;
	s19 =	simm.s32 $0x1000;
	s20 =	simm.s32 $0x20000  }
0x9: {  	s21 =	simm.s32 $0x10400;
	s22 =	simm.s32 $0x0;
	s6 =	sand.u32 $0x1, s2;
	v0 =	vmul.u32 $0x80, v0  }
0xa: {  	s2 =	simm.s32 $0x0;
	s7 =	sshll.u32 s1, $0xA;
	s3 =	sadd.s32 $0x400, s3  }
.Ltmp0:
0xb: {  	s8 =	sshll.u32 s6, $0x9;
	[smem:$0x7FF] =	sst s2;
	v1 =	vor.u32 $0x800, v0;
	v2 =	vor.u32 $0x1000, v0;
	v3 =	vor.u32 $0x1800, v0;
	(pc) =	sbr.rel .LBB2_1-.Ltmp0, $4  }
0xc: {  	s6 =	ssub.s32 $0x2, s6;
	s7 =	sor.u32 s8, s7;
	_ =	strace $0x80000047;
	v4 =	vor.u32 $0x2000, v0;
	v5 =	vor.u32 $0x2800, v0;
	v6 =	vor.u32 $0x3000, v0  }
0xd: {  	s31 =	sshrl.u32 s6, $0x1;
	s8 =	simm.s32 $0x80;
	v7 =	vor.u32 $0x3800, v0;
	v8 =	vor.u32 $0x4000, v0;
	v9 =	vor.u32 $0x4800, v0;
	s9 =	sshrl.u32 s7, $0x3  }
0xe: {  	v10 =	vor.u32 $0x5000, v0;
	v11 =	vor.u32 $0x5800, v0;
	v12 =	vor.u32 $0x6000, v0;
	s6 =	ssub.s32 s6, s31;
	s5 =	sadd.s32 s5, s7;
	s7 =	simm.s32 $0x3  }
0xf: {  	v13 =	vor.u32 $0x6800, v0;
	v14 =	vor.u32 $0x7000, v0;
	v15 =	vor.u32 $0x7800, v0;
	s4 =	sadd.s32 s4, s9;
	s6 =	smax.u32 s6, $0x1;
	s9 =	simm.s32 $0x200  }
.LBB2_4:
0x10: {  	s22 =	sadd.s32 $0x1, s22  }
0x11: {  	p0 =	sne.s32 s22, s6  }
.Ltmp1:
0x12: {  	_ = 	snop;
	(pc) =	sbr.rel @!p0 .LBB2_5-.Ltmp1, $4  }
0x13: {  	[hbm4b:s5+s19] =	stream.strided.scatter [tilespmem:s21], [sflag:$0x3], $0x4000, s20, s19, $0x38;
	[tilespmem:$0x14400] =	vst v63  }
0x14: {  	_ =	swait.ge [sflag:s7], $0x4000  }
0x15: {  	[sflag:s7] =	ssyncset.done $0x0  }
0x16: {  	[sflag:s7] =	ssyncadd.s32 $0xFFFFC000  }
.LBB2_1:
0x17: {  	[tilespmem:s2], [sflag:$0x3] =	stream.linear.gather [hbm4b:s4+s2], $0x200, $0x38;
	[tilespmem:$0x14400] =	vst v63  }
0x18: {  	_ =	swait.ge [sflag:s7], $0x200  }
0x19: {  	[sflag:s7] =	ssyncset.done $0x0  }
0x1a: {  	[sflag:s7] =	ssyncadd.s32 $0xFFFFFE00  }
0x1b: {  	v16 =	vld [tilespmem:$0x0];
	_ =	sdelay $0x4  }
0x1c: {  	v16 =	vshra.s32 v16, $0x4  }
0x1d: {  	v17 =	vand.u32 $0xFFFFFFF8, v16  }
0x1e: {  	v16 =	vor.u32 $0x7, v16;
	[tilespmem:$0x200] =	vst v17  }
0x1f: {  	v18 =	vadd.s32 $0xF428, v17;
	[tilespmem:$0x270] =	vst v16  }
0x20: {  	v52 =	vor.u32 $0x1, v17;
	[tilespmem:$0x280] =	vst v18  }
0x21: {  	v53 =	vadd.s32 $0xF429, v17;
	[tilespmem:$0x210] =	vst v52  }
0x22: {  	v54 =	vor.u32 $0x2, v17;
	[tilespmem:$0x290] =	vst v53  }
0x23: {  	v55 =	vadd.s32 $0xF42A, v17;
	[tilespmem:$0x220] =	vst v54  }
0x24: {  	v56 =	vor.u32 $0x3, v17;
	[tilespmem:$0x2A0] =	vst v55  }
0x25: {  	v57 =	vadd.s32 $0xF42B, v17;
	[tilespmem:$0x230] =	vst v56  }
0x26: {  	v58 =	vor.u32 $0x4, v17;
	[tilespmem:$0x2B0] =	vst v57  }
0x27: {  	v59 =	vadd.s32 $0xF42C, v17;
	[tilespmem:$0x240] =	vst v58  }
0x28: {  	v60 =	vor.u32 $0x5, v17;
	[tilespmem:$0x2C0] =	vst v59  }
0x29: {  	v61 =	vadd.s32 $0xF42D, v17;
	[tilespmem:$0x250] =	vst v60  }
0x2a: {  	v62 =	vor.u32 $0x6, v17;
	[tilespmem:$0x2D0] =	vst v61  }
0x2b: {  	v63 =	vadd.s32 $0xF42E, v17;
	[tilespmem:$0x260] =	vst v62  }
0x2c: {  	v16 =	vadd.s32 $0xF42F, v17;
	[tilespmem:$0x2E0] =	vst v63  }
0x2d: {  	[tilespmem:$0x2F0] =	vst v16  }
0x2e: {  	[tilespmem:s10], [sflag:$0x1] =	stream.indirect.gather [hbm4b:s3+s8], $0x80, s9, s8, $0xb8;
	[tilespmem:$0x14400] =	vst v63  }
0x2f: {  	_ = 	snop  }
0x30: {  	[tilespmem:s12], [sflag:$0x1] =	stream.indirect.gather [hbm4b:s3+s8], $0x80, s11, s8, $0xb8;
	[tilespmem:$0x14400] =	vst v63  }
0x31: {  	v16 =	vld [tilespmem:$0x0];
	_ =	sdelay $0x4  }
0x32: {  	v16 =	vshra.s32 v16, $0x4  }
0x33: {  	v16 =	vand.u32 $0xFFFFFFF8, v16  }
0x34: {  	v17 =	vadd.s32 $0x1E850, v16  }
0x35: {  	[tilespmem:$0x300] =	vst v17;
	v17 =	vadd.s32 $0x2DC78, v16  }
0x36: {  	[tilespmem:$0x380] =	vst v17;
	v17 =	vadd.s32 $0x1E851, v16  }
0x37: {  	[tilespmem:$0x310] =	vst v17;
	v17 =	vadd.s32 $0x2DC79, v16  }
0x38: {  	[tilespmem:$0x390] =	vst v17;
	v17 =	vadd.s32 $0x1E852, v16  }
0x39: {  	[tilespmem:$0x320] =	vst v17;
	v17 =	vadd.s32 $0x2DC7A, v16  }
0x3a: {  	[tilespmem:$0x3A0] =	vst v17;
	v17 =	vadd.s32 $0x1E853, v16  }
0x3b: {  	[tilespmem:$0x330] =	vst v17;
	v17 =	vadd.s32 $0x2DC7B, v16  }
0x3c: {  	[tilespmem:$0x3B0] =	vst v17;
	v17 =	vadd.s32 $0x1E854, v16  }
0x3d: {  	[tilespmem:$0x340] =	vst v17;
	v17 =	vadd.s32 $0x2DC7C, v16  }
0x3e: {  	[tilespmem:$0x3C0] =	vst v17;
	v17 =	vadd.s32 $0x1E855, v16  }
0x3f: {  	[tilespmem:$0x350] =	vst v17;
	v17 =	vadd.s32 $0x2DC7D, v16  }
0x40: {  	[tilespmem:$0x3D0] =	vst v17;
	v17 =	vadd.s32 $0x1E856, v16  }
0x41: {  	[tilespmem:$0x360] =	vst v17;
	v17 =	vadd.s32 $0x2DC7E, v16  }
0x42: {  	[tilespmem:$0x3E0] =	vst v17;
	v17 =	vadd.s32 $0x1E857, v16  }
0x43: {  	v16 =	vadd.s32 $0x2DC7F, v16;
	[tilespmem:$0x370] =	vst v17  }
0x44: {  	[tilespmem:$0x3F0] =	vst v16  }
0x45: {  	[tilespmem:s14], [sflag:$0x2] =	stream.indirect.gather [hbm4b:s3+s8], $0x80, s13, s8, $0xb8;
	[tilespmem:$0x14400] =	vst v63  }
0x46: {  	s23 =	simm.s32 $0x10;
	s24 =	simm.s32 $0x0;
	s25 =	simm.s32 $0x0  }
0x47: {  	[tilespmem:s16], [sflag:$0x2] =	stream.indirect.gather [hbm4b:s3+s8], $0x80, s15, s8, $0xb8;
	[tilespmem:$0x14400] =	vst v63  }
.LBB2_2:
0x48: {  	_ =	swait.ge [sflag:s17], $0x8000  }
0x49: {  	[sflag:s17] =	ssyncset.done $0x0  }
0x4a: {  	[sflag:s17] =	ssyncadd.s32 $0xFFFF8000  }
0x4b: {  	v16 =	vld [tilespmem:s23+$0xFFFFFFF0];
	_ =	sdelay $0x4  }
0x4c: {  	v16 =	vand.u32 $0x7F, v16  }
0x4d: {  	v17 =	vor.u32 v0, v16;
	_ =	sdelay $0x4  }
0x4e: {  	v17 =	vld.idx.msk [tilespmem:v17+s10+$0x0], $0xffff  }
0x4f: {  	v18 =	vor.u32 v1, v16;
	_ =	sdelay $0x1  }
0x50: {  	s26 =	sand.u32 $0x70, s24;
	s28 =	sand.u32 $0xC00, s25  }
0x51: {  	s29 =	sor.u32 s26, s28  }
0x52: {  	[tilespmem:s29+$0x10400] =	vst v17  }
0x53: {  	v17 =	vld.idx.msk [tilespmem:v18+s10+$0x0], $0xffff  }
0x54: {  	v37 =	vor.u32 v2, v16;
	_ =	sdelay $0x2  }
0x55: {  	s30 =	sadd.s32 $0x10400, s29  }
0x56: {  	[tilespmem:s30+$0x80] =	vst v17  }
0x57: {  	v17 =	vld.idx.msk [tilespmem:v37+s10+$0x0], $0xffff  }
0x58: {  	v38 =	vor.u32 v3, v16;
	_ =	sdelay $0x3  }
0x59: {  	[tilespmem:s30+$0x100] =	vst v17  }
0x5a: {  	v17 =	vld.idx.msk [tilespmem:v38+s10+$0x0], $0xffff  }
0x5b: {  	v39 =	vor.u32 v4, v16;
	_ =	sdelay $0x3  }
0x5c: {  	[tilespmem:s30+$0x180] =	vst v17  }
0x5d: {  	v17 =	vld.idx.msk [tilespmem:v39+s10+$0x0], $0xffff  }
0x5e: {  	v40 =	vor.u32 v5, v16;
	_ =	sdelay $0x3  }
0x5f: {  	[tilespmem:s30+$0x200] =	vst v17  }
0x60: {  	v17 =	vld.idx.msk [tilespmem:v40+s10+$0x0], $0xffff  }
0x61: {  	v41 =	vor.u32 v6, v16;
	_ =	sdelay $0x3  }
0x62: {  	[tilespmem:s30+$0x280] =	vst v17  }
0x63: {  	v17 =	vld.idx.msk [tilespmem:v41+s10+$0x0], $0xffff  }
0x64: {  	v42 =	vor.u32 v7, v16;
	_ =	sdelay $0x3  }
0x65: {  	[tilespmem:s30+$0x300] =	vst v17  }
0x66: {  	v17 =	vld.idx.msk [tilespmem:v42+s10+$0x0], $0xffff  }
0x67: {  	v43 =	vor.u32 v8, v16;
	_ =	sdelay $0x1  }
0x68: {  	s31 =	sor.u32 s25, s24  }
0x69: {  	s30 =	sor.u32 $0x380, s31  }
0x6a: {  	[tilespmem:s30+$0x10400] =	vst v17  }
0x6b: {  	v17 =	vld.idx.msk [tilespmem:v43+s10+$0x0], $0xffff  }
0x6c: {  	v44 =	vor.u32 v9, v16;
	_ =	sdelay $0x3  }
0x6d: {  	[tilespmem:s29+$0x11400] =	vst v17  }
0x6e: {  	v17 =	vld.idx.msk [tilespmem:v44+s10+$0x0], $0xffff  }
0x6f: {  	v45 =	vor.u32 v10, v16;
	_ =	sdelay $0x3  }
0x70: {  	[tilespmem:s29+$0x11480] =	vst v17  }
0x71: {  	v17 =	vld.idx.msk [tilespmem:v45+s10+$0x0], $0xffff  }
0x72: {  	v46 =	vor.u32 v11, v16;
	_ =	sdelay $0x3  }
0x73: {  	[tilespmem:s29+$0x11500] =	vst v17  }
0x74: {  	v17 =	vld.idx.msk [tilespmem:v46+s10+$0x0], $0xffff  }
0x75: {  	v47 =	vor.u32 v12, v16;
	_ =	sdelay $0x3  }
0x76: {  	[tilespmem:s29+$0x11580] =	vst v17  }
0x77: {  	v17 =	vld.idx.msk [tilespmem:v47+s10+$0x0], $0xffff  }
0x78: {  	v48 =	vor.u32 v13, v16;
	_ =	sdelay $0x3  }
0x79: {  	[tilespmem:s29+$0x11600] =	vst v17  }
0x7a: {  	v17 =	vld.idx.msk [tilespmem:v48+s10+$0x0], $0xffff  }
0x7b: {  	v49 =	vor.u32 v14, v16;
	_ =	sdelay $0x3  }
0x7c: {  	[tilespmem:s29+$0x11680] =	vst v17  }
0x7d: {  	v17 =	vld.idx.msk [tilespmem:v49+s10+$0x0], $0xffff  }
0x7e: {  	v16 =	vor.u32 v15, v16;
	_ =	sdelay $0x3  }
0x7f: {  	[tilespmem:s29+$0x11700] =	vst v17  }
0x80: {  	v16 =	vld.idx.msk [tilespmem:v16+s10+$0x0], $0xffff;
	_ =	sdelay $0x4  }
0x81: {  	p0 =	seq.s32 s24, $0x1F0;
	[tilespmem:s29+$0x11780] =	vst v16  }
0x82: {  	v16 =	vld @!p0 [tilespmem:s23+$0x0];
	_ =	sdelay $0x4  }
0x83: {  	v16 =	vshra.s32 @!p0 v16, $0x4  }
0x84: {  	v17 =	vand.u32 @!p0 $0xFFFFFFF8, v16  }
0x85: {  	v16 =	vor.u32 @!p0 $0x7, v16;
	[tilespmem:$0x200] =	vst @!p0 v17  }
0x86: {  	v18 =	vadd.s32 @!p0 $0xF428, v17;
	[tilespmem:$0x270] =	vst @!p0 v16  }
0x87: {  	v16 =	vadd.s32 @!p0 $0xF42F, v17;
	[tilespmem:$0x280] =	vst @!p0 v18  }
0x88: {  	v18 =	vor.u32 @!p0 $0x1, v17;
	[tilespmem:$0x2F0] =	vst @!p0 v16  }
0x89: {  	[tilespmem:$0x210] =	vst @!p0 v18;
	v18 =	vadd.s32 @!p0 $0xF429, v17  }
0x8a: {  	[tilespmem:$0x290] =	vst @!p0 v18;
	v18 =	vor.u32 @!p0 $0x2, v17  }
0x8b: {  	[tilespmem:$0x220] =	vst @!p0 v18;
	v18 =	vadd.s32 @!p0 $0xF42A, v17  }
0x8c: {  	[tilespmem:$0x2A0] =	vst @!p0 v18;
	v18 =	vor.u32 @!p0 $0x3, v17  }
0x8d: {  	[tilespmem:$0x230] =	vst @!p0 v18;
	v18 =	vadd.s32 @!p0 $0xF42B, v17  }
0x8e: {  	[tilespmem:$0x2B0] =	vst @!p0 v18;
	v18 =	vor.u32 @!p0 $0x4, v17  }
0x8f: {  	[tilespmem:$0x240] =	vst @!p0 v18;
	v18 =	vadd.s32 @!p0 $0xF42C, v17  }
0x90: {  	[tilespmem:$0x2C0] =	vst @!p0 v18;
	v18 =	vor.u32 @!p0 $0x5, v17  }
0x91: {  	[tilespmem:$0x250] =	vst @!p0 v18;
	v18 =	vadd.s32 @!p0 $0xF42D, v17  }
0x92: {  	[tilespmem:$0x2D0] =	vst @!p0 v18;
	v18 =	vor.u32 @!p0 $0x6, v17  }
0x93: {  	[tilespmem:$0x260] =	vst @!p0 v18;
	v18 =	vadd.s32 @!p0 $0xF42E, v17  }
0x94: {  	s31 =	simm.s32 @!p0 $0x400;
	s30 =	simm.s32 @!p0 $0x200;
	s29 =	simm.s32 @!p0 $0x80;
	[tilespmem:$0x2E0] =	vst @!p0 v18  }
0x95: {  	[tilespmem:s31], [sflag:$0x1] =	stream.indirect.gather @!p0 [hbm4b:s3+s29], $0x80, s30, s29, $0xb8;
	[tilespmem:$0x14400] =	vst v63  }
0x96: {  	s30 =	simm.s32 @!p0 $0x280;
	s31 =	simm.s32 @!p0 $0x4400  }
0x97: {  	[tilespmem:s31], [sflag:$0x1] =	stream.indirect.gather @!p0 [hbm4b:s3+s29], $0x80, s30, s29, $0xb8;
	[tilespmem:$0x14400] =	vst v63  }
0x98: {  	_ =	swait.ge [sflag:s18], $0x8000  }
0x99: {  	[sflag:s18] =	ssyncset.done $0x0  }
0x9a: {  	[sflag:s18] =	ssyncadd.s32 $0xFFFF8000  }
0x9b: {  	v16 =	vld [tilespmem:s23+$0xFFFFFFF0];
	_ =	sdelay $0x4  }
0x9c: {  	v16 =	vand.u32 $0x7F, v16  }
0x9d: {  	v17 =	vor.u32 v0, v16;
	_ =	sdelay $0x4  }
0x9e: {  	v17 =	vld.idx.msk [tilespmem:v17+s14+$0x0], $0xffff  }
0x9f: {  	v50 =	vor.u32 v1, v16;
	_ =	sdelay $0x2  }
0xa0: {  	s26 =	sadd.s32 s26, s28  }
0xa1: {  	[tilespmem:s26+$0x12400] =	vst v17  }
0xa2: {  	v17 =	vld.idx.msk [tilespmem:v50+s14+$0x0], $0xffff  }
0xa3: {  	v51 =	vor.u32 v2, v16;
	_ =	sdelay $0x3  }
0xa4: {  	[tilespmem:s26+$0x12480] =	vst v17  }
0xa5: {  	v17 =	vld.idx.msk [tilespmem:v51+s14+$0x0], $0xffff  }
0xa6: {  	v52 =	vor.u32 v3, v16;
	_ =	sdelay $0x3  }
0xa7: {  	[tilespmem:s26+$0x12500] =	vst v17  }
0xa8: {  	v17 =	vld.idx.msk [tilespmem:v52+s14+$0x0], $0xffff  }
0xa9: {  	v53 =	vor.u32 v4, v16;
	_ =	sdelay $0x3  }
0xaa: {  	[tilespmem:s26+$0x12580] =	vst v17  }
0xab: {  	v17 =	vld.idx.msk [tilespmem:v53+s14+$0x0], $0xffff  }
0xac: {  	v54 =	vor.u32 v5, v16;
	_ =	sdelay $0x3  }
0xad: {  	[tilespmem:s26+$0x12600] =	vst v17  }
0xae: {  	v17 =	vld.idx.msk [tilespmem:v54+s14+$0x0], $0xffff  }
0xaf: {  	v55 =	vor.u32 v6, v16;
	_ =	sdelay $0x3  }
0xb0: {  	[tilespmem:s26+$0x12680] =	vst v17  }
0xb1: {  	v17 =	vld.idx.msk [tilespmem:v55+s14+$0x0], $0xffff  }
0xb2: {  	v56 =	vor.u32 v7, v16;
	_ =	sdelay $0x3  }
0xb3: {  	[tilespmem:s26+$0x12700] =	vst v17  }
0xb4: {  	v17 =	vld.idx.msk [tilespmem:v56+s14+$0x0], $0xffff  }
0xb5: {  	v57 =	vor.u32 v8, v16;
	_ =	sdelay $0x3  }
0xb6: {  	[tilespmem:s26+$0x12780] =	vst v17  }
0xb7: {  	v17 =	vld.idx.msk [tilespmem:v57+s14+$0x0], $0xffff  }
0xb8: {  	v58 =	vor.u32 v9, v16;
	_ =	sdelay $0x3  }
0xb9: {  	[tilespmem:s26+$0x13400] =	vst v17  }
0xba: {  	v17 =	vld.idx.msk [tilespmem:v58+s14+$0x0], $0xffff  }
0xbb: {  	v59 =	vor.u32 v10, v16;
	_ =	sdelay $0x3  }
0xbc: {  	[tilespmem:s26+$0x13480] =	vst v17  }
0xbd: {  	v17 =	vld.idx.msk [tilespmem:v59+s14+$0x0], $0xffff  }
0xbe: {  	v60 =	vor.u32 v11, v16;
	_ =	sdelay $0x3  }
0xbf: {  	[tilespmem:s26+$0x13500] =	vst v17  }
0xc0: {  	v17 =	vld.idx.msk [tilespmem:v60+s14+$0x0], $0xffff  }
0xc1: {  	v61 =	vor.u32 v12, v16;
	_ =	sdelay $0x3  }
0xc2: {  	[tilespmem:s26+$0x13580] =	vst v17  }
0xc3: {  	v17 =	vld.idx.msk [tilespmem:v61+s14+$0x0], $0xffff  }
0xc4: {  	v62 =	vor.u32 v13, v16;
	_ =	sdelay $0x3  }
0xc5: {  	[tilespmem:s26+$0x13600] =	vst v17  }
0xc6: {  	v17 =	vld.idx.msk [tilespmem:v62+s14+$0x0], $0xffff  }
0xc7: {  	v63 =	vor.u32 v14, v16;
	_ =	sdelay $0x3  }
0xc8: {  	[tilespmem:s26+$0x13680] =	vst v17  }
0xc9: {  	v17 =	vld.idx.msk [tilespmem:v63+s14+$0x0], $0xffff  }
0xca: {  	v16 =	vor.u32 v15, v16;
	_ =	sdelay $0x3  }
0xcb: {  	[tilespmem:s26+$0x13700] =	vst v17  }
0xcc: {  	v16 =	vld.idx.msk [tilespmem:v16+s14+$0x0], $0xffff  }
.Ltmp2:
0xcd: {  	_ = 	snop;
	(pc) =	sbr.rel @p0 .LBB2_4-.Ltmp2, $2  }
0xce: {  	_ =	sdelay $0x2  }
0xcf: {  	[tilespmem:s26+$0x13780] =	vst v16  }
0xd0: {  	v16 =	vld [tilespmem:s23+$0x0];
	_ =	sdelay $0x4  }
0xd1: {  	v16 =	vshra.s32 v16, $0x4  }
0xd2: {  	v16 =	vand.u32 $0xFFFFFFF8, v16  }
0xd3: {  	v17 =	vadd.s32 $0x1E850, v16  }
0xd4: {  	[tilespmem:$0x300] =	vst v17;
	v17 =	vadd.s32 $0x2DC78, v16  }
0xd5: {  	[tilespmem:$0x380] =	vst v17;
	v17 =	vadd.s32 $0x1E851, v16  }
0xd6: {  	[tilespmem:$0x310] =	vst v17;
	v17 =	vadd.s32 $0x2DC79, v16  }
0xd7: {  	[tilespmem:$0x390] =	vst v17;
	v17 =	vadd.s32 $0x1E852, v16  }
0xd8: {  	[tilespmem:$0x320] =	vst v17;
	v17 =	vadd.s32 $0x2DC7A, v16  }
0xd9: {  	[tilespmem:$0x3A0] =	vst v17;
	v17 =	vadd.s32 $0x1E853, v16  }
0xda: {  	[tilespmem:$0x330] =	vst v17;
	v17 =	vadd.s32 $0x2DC7B, v16  }
0xdb: {  	[tilespmem:$0x3B0] =	vst v17;
	v17 =	vadd.s32 $0x1E854, v16  }
0xdc: {  	[tilespmem:$0x340] =	vst v17;
	v17 =	vadd.s32 $0x2DC7C, v16  }
0xdd: {  	[tilespmem:$0x3C0] =	vst v17;
	v17 =	vadd.s32 $0x1E855, v16  }
0xde: {  	[tilespmem:$0x350] =	vst v17;
	v17 =	vadd.s32 $0x2DC7D, v16  }
0xdf: {  	[tilespmem:$0x3D0] =	vst v17;
	v17 =	vadd.s32 $0x1E856, v16  }
0xe0: {  	[tilespmem:$0x360] =	vst v17;
	v17 =	vadd.s32 $0x2DC7E, v16  }
0xe1: {  	[tilespmem:$0x3E0] =	vst v17;
	v17 =	vadd.s32 $0x1E857, v16  }
.Ltmp3:
0xe2: {  	v16 =	vadd.s32 $0x2DC7F, v16;
	[tilespmem:$0x370] =	vst v17;
	(pc) =	sbr.rel .LBB2_2-.Ltmp3, $4  }
0xe3: {  	[tilespmem:$0x3F0] =	vst v16  }
0xe4: {  	[tilespmem:s14], [sflag:$0x2] =	stream.indirect.gather [hbm4b:s3+s8], $0x80, s13, s8, $0xb8;
	[tilespmem:$0x14400] =	vst v63  }
0xe5: {  	s23 =	sadd.s32 $0x10, s23;
	s25 =	sadd.s32 $0x80, s25;
	s24 =	sadd.s32 $0x10, s24  }
0xe6: {  	[tilespmem:s16], [sflag:$0x2] =	stream.indirect.gather [hbm4b:s3+s8], $0x80, s15, s8, $0xb8;
	[tilespmem:$0x14400] =	vst v63  }
.LBB2_5:
0xe7: {  	_ =	sfence.sel $0x180000  }
0xe8: {  	[bflag:$0x0] =	sbarrier.arrive $0xFFFF  }
0xe9: {  	p0 =	sne.s32 s1, $0x0;
	_ =	strace $0x90000047  }
0xea: {  	s0 =	sadd.s32 @!p0 $0x100000, s0;
	[bflag:$0x2] =	sbarrier.arrive $0xFFFF  }
0xeb: {  	[sflag:s0] =	ssyncadd.tile.s32 @!p0 $0x1;
	_ =	shalt  }
.Lfunc_end2:
_tile_overlayer_lowered:
.L_overlay_start_2:
0xec: {  	(tag) =	ssettag $0x2  }
0xed: {  	s0 =	rddreg [dreg:$0x0];
	s2 =	stileid.u32  }
0xee: {  	s1 =	rddreg [dreg:$0x1];
	p0 =	sne.s32 s2, $0x0  }
0xef: {  	s3 =	rddreg [dreg:$0x2];
	[bflag:$0x3] =	sbarrier.arrive $0xFFFF;
	s2 =	simm.s32 @!p0 $0x1C03  }
0xf0: {  	[timem:s3], [sflag:s2] =	dma.local @!p0 [hbm:s0], s1  }
0xf1: {  	s0 =	simm.s32 @!p0 $0x3  }
0xf2: {  	_ =	swait.ge @!p0 [sflag:s0], s1  }
0xf3: {  	s1 =	ssub.s32 @!p0 $0x0, s1;
	[sflag:s0] =	ssyncset.done @!p0 $0x0  }
0xf4: {  	[sflag:s0] =	ssyncadd.s32 @!p0 s1  }
0xf5: {  	[bflag:$0x3] =	sbarrier.arrive $0xFFFF  }
0xf6: {  	_ =	shalt  }

</sc_bundles>
